<compile_context>
chip_gen: v7x
topology: tpu7x:2x2x1
jax: 0.10.2.dev20260603
libtpu: 0.0.44.dev20260713+nightly
codegen_flags: <defaults>
</compile_context>

<pallas_src>
import functools

import jax
import jax.numpy as jnp
from jax import lax
from jax.experimental import pallas as pl
from jax.experimental.pallas import tpu as pltpu
from jax.experimental.pallas import tpu_sc as plsc

T = 2048
D = 768
F = 768
E = 16
TB = 256
NB = T // TB + E
NS_ROWS = NB * TB

SC_CORES = 2
SC_SUBCORES = 16
SC_WORKERS = SC_CORES * SC_SUBCORES

SW = 128


def _router_body(x_ref, rw_ref, score_ref, dest_ref, blk_ref, tot_ref):
    x = x_ref[...]
    logits = jnp.dot(x, rw_ref[...], preferred_element_type=jnp.float32)
    m = jnp.max(logits, axis=1, keepdims=True)
    e_iota = lax.broadcasted_iota(jnp.int32, (T, E), 1)
    idx = jnp.min(jnp.where(logits == m, e_iota, E), axis=1, keepdims=True)
    score = 1.0 / (1.0 + jnp.exp(-m))

    onehot = (e_iota == idx).astype(jnp.int32)
    a = onehot
    k = 1
    while k < T:
        a = a + jnp.concatenate(
            [jnp.zeros((k, E), jnp.int32), a[: T - k]], axis=0)
        k *= 2
    rank = jnp.sum((a - onehot) * onehot, axis=1)
    counts = a[T - 1 : T, :]
    nblk = (counts + (TB - 1)) // TB
    b = nblk
    k = 1
    while k < E:
        b = b + jnp.concatenate(
            [jnp.zeros((1, k), jnp.int32), b[:, : E - k]], axis=1)
        k *= 2
    blk_off = b - nblk
    row_off = blk_off * TB
    dest = jnp.sum(onehot * row_off, axis=1) + rank
    dest_ref[...] = dest.astype(jnp.int32)

    score_ref[...] = jnp.broadcast_to(score, (T, SW))

    tot = jnp.sum(nblk, axis=1)
    tot_ref[...] = tot
    bi = lax.broadcasted_iota(jnp.int32, (NB, E), 0)
    bi = jnp.minimum(bi, jnp.broadcast_to(tot[:, None], (NB, E)) - 1)
    off_b = jnp.broadcast_to(blk_off, (NB, E))
    be = jnp.sum((off_b <= bi).astype(jnp.int32), axis=1) - 1
    blk_ref[...] = jnp.clip(be, 0, E - 1)


_router_call = pl.pallas_call(
    _router_body,
    out_shape=(
        jax.ShapeDtypeStruct((T, SW), jnp.float32),
        jax.ShapeDtypeStruct((T,), jnp.int32),
        jax.ShapeDtypeStruct((NB,), jnp.int32),
        jax.ShapeDtypeStruct((1,), jnp.int32),
    ),
)


_B_PER_W = T // SC_WORKERS


@functools.cache
def _sc_mesh():
    return plsc.VectorSubcoreMesh(
        core_axis_name="c", subcore_axis_name="s",
        num_cores=SC_CORES, num_subcores=SC_SUBCORES)


@functools.cache
def _sc_scatter():
    @functools.partial(
        pl.kernel,
        out_type=(
            jax.ShapeDtypeStruct((NS_ROWS, D), jnp.float32),
            jax.ShapeDtypeStruct((NS_ROWS, SW), jnp.float32),
        ),
        mesh=_sc_mesh(),
        scratch_types=[
            pltpu.VMEM((2, _B_PER_W // 2), jnp.int32),
            pltpu.VMEM((_B_PER_W, D), jnp.float32),
            pltpu.VMEM((_B_PER_W, SW), jnp.float32),
            pltpu.SemaphoreType.DMA,
            pltpu.SemaphoreType.DMA,
            pltpu.SemaphoreType.DMA,
            pltpu.SemaphoreType.DMA,
        ],
    )
    def body(x_hbm, score_hbm, dest_hbm, out_hbm, sout_hbm,
             idx_v, rows_v, sc_v, sem_i, sem_x, sem, sem2):
        wid = lax.axis_index("s") * SC_CORES + lax.axis_index("c")
        base = wid * _B_PER_W
        half = _B_PER_W // 2
        cp_d0 = pltpu.async_copy(
            dest_hbm.at[pl.ds(base, half)], idx_v.at[0], sem_i)
        cp_d1 = pltpu.async_copy(
            dest_hbm.at[pl.ds(base + half, half)], idx_v.at[1], sem_i)
        cp_x0 = pltpu.async_copy(
            x_hbm.at[pl.ds(base, half)], rows_v.at[pl.ds(0, half)], sem_x)
        cp_x1 = pltpu.async_copy(
            x_hbm.at[pl.ds(base + half, half)], rows_v.at[pl.ds(half, half)], sem_x)
        cp_s = pltpu.async_copy(score_hbm.at[pl.ds(base, _B_PER_W)], sc_v, sem_i)
        cp_d0.wait()
        cp_d1.wait()
        cp_x0.wait()
        r0 = pltpu.async_copy(
            rows_v.at[pl.ds(0, half)], out_hbm.at[idx_v.at[0]], sem)
        cp_x1.wait()
        r1 = pltpu.async_copy(
            rows_v.at[pl.ds(half, half)], out_hbm.at[idx_v.at[1]], sem)
        cp_s.wait()
        s0 = pltpu.async_copy(
            sc_v.at[pl.ds(0, half)], sout_hbm.at[idx_v.at[0]], sem2)
        s1 = pltpu.async_copy(
            sc_v.at[pl.ds(half, half)], sout_hbm.at[idx_v.at[1]], sem2)
        r0.wait()
        r1.wait()
        s0.wait()
        s1.wait()

    return body


def _gmm_body(be_ref, tot_ref, x_ref, s_ref, wg_ref, wu_ref, wd_ref,
              wsg_ref, wsu_ref, wsd_ref, y_ref):
    @pl.when(pl.program_id(0) < tot_ref[0])
    def _():
        x = x_ref[...]
        xs = x * s_ref[:, :1]
        g = jnp.dot(xs, wg_ref[0], preferred_element_type=jnp.float32)
        u = jnp.dot(xs, wu_ref[0], preferred_element_type=jnp.float32)
        h = g * (1.0 / (1.0 + jnp.exp(-g))) * u
        gs = jnp.dot(x, wsg_ref[...], preferred_element_type=jnp.float32)
        us = jnp.dot(x, wsu_ref[...], preferred_element_type=jnp.float32)
        hs = gs * (1.0 / (1.0 + jnp.exp(-gs))) * us
        y_ref[...] = (
            jnp.dot(h, wd_ref[0], preferred_element_type=jnp.float32)
            + jnp.dot(hs, wsd_ref[...], preferred_element_type=jnp.float32))


_gmm_call = pl.pallas_call(
    _gmm_body,
    grid_spec=pltpu.PrefetchScalarGridSpec(
        num_scalar_prefetch=2,
        grid=(NB,),
        in_specs=[
            pl.BlockSpec((TB, D), lambda b, be, tot: (jnp.minimum(b, tot[0] - 1), 0)),
            pl.BlockSpec((TB, SW), lambda b, be, tot: (jnp.minimum(b, tot[0] - 1), 0)),
            pl.BlockSpec((1, D, F), lambda b, be, tot: (be[b], 0, 0)),
            pl.BlockSpec((1, D, F), lambda b, be, tot: (be[b], 0, 0)),
            pl.BlockSpec((1, F, D), lambda b, be, tot: (be[b], 0, 0)),
            pl.BlockSpec((D, F), lambda b, be, tot: (0, 0)),
            pl.BlockSpec((D, F), lambda b, be, tot: (0, 0)),
            pl.BlockSpec((F, D), lambda b, be, tot: (0, 0)),
        ],
        out_specs=pl.BlockSpec((TB, D), lambda b, be, tot: (jnp.minimum(b, tot[0] - 1), 0)),
    ),
    out_shape=jax.ShapeDtypeStruct((NS_ROWS, D), jnp.float32),
)


@functools.cache
def _sc_gather():
    @functools.partial(
        pl.kernel,
        out_type=jax.ShapeDtypeStruct((T, D), jnp.float32),
        mesh=_sc_mesh(),
        scratch_types=[
            pltpu.VMEM((_B_PER_W,), jnp.int32),
            pltpu.VMEM((_B_PER_W, D), jnp.float32),
            pltpu.SemaphoreType.DMA,
            pltpu.SemaphoreType.DMA,
            pltpu.SemaphoreType.DMA,
        ],
    )
    def body(ys_hbm, dest_hbm, out_hbm, idx_v, rows_v, sem, sem2, semw):
        wid = lax.axis_index("s") * SC_CORES + lax.axis_index("c")
        base = wid * _B_PER_W
        half = _B_PER_W // 2
        pltpu.sync_copy(dest_hbm.at[pl.ds(base, _B_PER_W)], idx_v)
        g0 = pltpu.async_copy(
            ys_hbm.at[idx_v.at[pl.ds(0, half)]], rows_v.at[pl.ds(0, half)], sem)
        g1 = pltpu.async_copy(
            ys_hbm.at[idx_v.at[pl.ds(half, half)]], rows_v.at[pl.ds(half, half)], sem2)
        g0.wait()
        w0 = pltpu.async_copy(
            rows_v.at[pl.ds(0, half)], out_hbm.at[pl.ds(base, half)], semw)
        g1.wait()
        w1 = pltpu.async_copy(
            rows_v.at[pl.ds(half, half)], out_hbm.at[pl.ds(base + half, half)], semw)
        w0.wait()
        w1.wait()

    return body


def kernel(hidden_states, router_w, w_gate, w_up, w_down, ws_gate, ws_up, ws_down):
    score_t, dest, blk, tot = _router_call(hidden_states, router_w)
    x_sorted, s_sorted = _sc_scatter()(hidden_states, score_t, dest)
    y_sorted = _gmm_call(blk, tot, x_sorted, s_sorted, w_gate, w_up, w_down,
                         ws_gate, ws_up, ws_down)
    return _sc_gather()(y_sorted, dest)

# --- scband reference (transcript-rebuilt; emitter-appended) ---
"""Pipeline reference for scband-llama4-mo-e-17506286698804 (READ-ONLY COPY).

The authoritative reference and input builder live on the scoring server;
editing this copy changes nothing except your own understanding.
"""

import jax, jax.numpy as jnp
import numpy as np

T = 2048
D = 768
F = 768
E = 16
TOPK = 1

def setup_inputs(seed: int = 0) -> dict:
    key = jax.random.key(seed)
    ks = jax.random.split(key, 8)
    hidden_states = jax.random.normal(ks[0], (T, D), dtype=jnp.float32)
    router_w = jax.random.normal(ks[1], (D, E), dtype=jnp.float32) * (1.0 / np.sqrt(D))
    w_gate = jax.random.normal(ks[2], (E, D, F), dtype=jnp.float32) * 0.02
    w_up = jax.random.normal(ks[3], (E, D, F), dtype=jnp.float32) * 0.02
    w_down = jax.random.normal(ks[4], (E, F, D), dtype=jnp.float32) * 0.02
    ws_gate = jax.random.normal(ks[5], (D, F), dtype=jnp.float32) * 0.02
    ws_up = jax.random.normal(ks[6], (D, F), dtype=jnp.float32) * 0.02
    ws_down = jax.random.normal(ks[7], (F, D), dtype=jnp.float32) * 0.02
    return {"hidden_states": hidden_states, "router_w": router_w,
            "w_gate": w_gate, "w_up": w_up, "w_down": w_down,
            "ws_gate": ws_gate, "ws_up": ws_up, "ws_down": ws_down}

def reference(hidden_states, router_w, w_gate, w_up, w_down, ws_gate, ws_up, ws_down):
    # Router (ReplicatedLinear, no bias)
    router_logits = hidden_states @ router_w  # [T, E]
    # custom_routing_function: top-k on raw logits, then sigmoid of selected scores
    scores, idx = jax.lax.top_k(router_logits, TOPK)  # [T, K]
    scores = jax.nn.sigmoid(scores.astype(jnp.float32))  # renormalize=False
    # apply_router_weight_on_input=True: scale token copy by its router score before expert MLP
    x_k = hidden_states[:, None, :] * scores[..., None]  # [T, K, D]
    dispatch = jax.nn.one_hot(idx, E, dtype=hidden_states.dtype)  # [T, K, E]
    x_e = jnp.einsum('tke,tkd->etd', dispatch, x_k)  # [E, T, D]
    g = jax.nn.silu(jnp.einsum('etd,edf->etf', x_e, w_gate))
    u = jnp.einsum('etd,edf->etf', x_e, w_up)
    y_e = jnp.einsum('etf,efd->etd', g * u, w_down)  # [E, T, D]
    routed_out = jnp.sum(y_e, axis=0)  # combine (zero rows contribute zero since silu(0)*0=0)
    # Shared expert: LlamaMLP with SiLU gating
    shared_out = (jax.nn.silu(hidden_states @ ws_gate) * (hidden_states @ ws_up)) @ ws_down
    return routed_out + shared_out

if __name__ == "__main__":
    import jax
    _d = setup_inputs()
    print(jax.jit(kernel)(*tuple(_d.values())))

</pallas_src>

<mosaic_0001>
#map = affine_map<(d0, d1) -> (0, 0)>
#map1 = affine_map<(d0, d1) -> (0)>
module attributes {stable_mosaic.version = 14 : i64} {
  func.func @body(%arg0: i32, %arg1: i32, %arg2: memref<2048x768xf32, #tpu.memory_space<hbm>>, %arg3: memref<2048x128xf32, #tpu.memory_space<hbm>>, %arg4: memref<2048xi32, #tpu.memory_space<hbm>>, %arg5: memref<6144x768xf32, #tpu.memory_space<hbm>>, %arg6: memref<6144x128xf32, #tpu.memory_space<hbm>>, %arg7: memref<2x32xi32, #tpu.memory_space<vmem>>, %arg8: memref<64x768xf32, #tpu.memory_space<vmem>>, %arg9: memref<64x128xf32, #tpu.memory_space<vmem>>, %arg10: memref<!tpu.dma_semaphore, #tpu.memory_space<semaphore_mem>>, %arg11: memref<!tpu.dma_semaphore, #tpu.memory_space<semaphore_mem>>, %arg12: memref<!tpu.dma_semaphore, #tpu.memory_space<semaphore_mem>>, %arg13: memref<!tpu.dma_semaphore, #tpu.memory_space<semaphore_mem>>) attributes {dimension_semantics = [#tpu.dimension_semantics<core_parallel>, #tpu.dimension_semantics<subcore_parallel>], iteration_bounds = array<i64: 2, 16>, scalar_prefetch = 0 : i64, scratch_operands = 7 : i64, tpu.core_type = #tpu.core_type<sc_vector_subcore>, window_params = [{transform_indices = #map}, {transform_indices = #map}, {transform_indices = #map1}, {transform_indices = #map}, {transform_indices = #map}]} {
    %mul3A = arith.constant 2 : i32
    %mul3A_0 = arith.muli %arg1, %mul3A : i32
    %add3A = arith.addi %mul3A_0, %arg0 : i32
    %mul3A_1 = arith.constant 64 : i32
    %mul3A_2 = arith.muli %add3A, %mul3A_1 : i32
    %dma_start3A = arith.constant 0 : i32
    %dma_start3A_3 = arith.constant 0 : i32
    %dma_start3A_4 = tpu.memref_slice %arg7[%dma_start3A, %dma_start3A_3] : memref<2x32xi32, #tpu.memory_space<vmem>> -> memref<1x32xi32, #tpu.memory_space<vmem>>
    %dma_start3A_5 = tpu.memref_squeeze %dma_start3A_4 : memref<1x32xi32, #tpu.memory_space<vmem>> -> memref<32xi32, #tpu.memory_space<vmem>>
    %dma_start3A_6 = tpu.memref_slice %arg4[%mul3A_2] : memref<2048xi32, #tpu.memory_space<hbm>> -> memref<32xi32, #tpu.memory_space<hbm>>
    %dma_start3A_7 = arith.constant 0 : i32
    %dma_start3A_8 = tpu.memref_slice %arg7[%dma_start3A, %dma_start3A_7] : memref<2x32xi32, #tpu.memory_space<vmem>> -> memref<1x32xi32, #tpu.memory_space<vmem>>
    %dma_start3A_9 = tpu.memref_squeeze %dma_start3A_8 : memref<1x32xi32, #tpu.memory_space<vmem>> -> memref<32xi32, #tpu.memory_space<vmem>>
    %dma_start3A_10 = tpu.memref_slice %arg4[%mul3A_2] : memref<2048xi32, #tpu.memory_space<hbm>> -> memref<32xi32, #tpu.memory_space<hbm>>
    tpu.enqueue_dma source(%dma_start3A_10 : memref<32xi32, #tpu.memory_space<hbm>>) target(%dma_start3A_9 : memref<32xi32, #tpu.memory_space<vmem>>) target_semaphore(%arg10 : memref<!tpu.dma_semaphore, #tpu.memory_space<semaphore_mem>>)
    %add3A_11 = arith.constant 32 : i32
    %add3A_12 = arith.addi %mul3A_2, %add3A_11 : i32
    %dma_start3A_13 = arith.constant 1 : i32
    %dma_start3A_14 = arith.constant 0 : i32
    %dma_start3A_15 = tpu.memref_slice %arg7[%dma_start3A_13, %dma_start3A_14] : memref<2x32xi32, #tpu.memory_space<vmem>> -> memref<1x32xi32, #tpu.memory_space<vmem>>
    %dma_start3A_16 = tpu.memref_squeeze %dma_start3A_15 : memref<1x32xi32, #tpu.memory_space<vmem>> -> memref<32xi32, #tpu.memory_space<vmem>>
    %dma_start3A_17 = tpu.memref_slice %arg4[%add3A_12] : memref<2048xi32, #tpu.memory_space<hbm>> -> memref<32xi32, #tpu.memory_space<hbm>>
    %dma_start3A_18 = arith.constant 0 : i32
    %dma_start3A_19 = tpu.memref_slice %arg7[%dma_start3A_13, %dma_start3A_18] : memref<2x32xi32, #tpu.memory_space<vmem>> -> memref<1x32xi32, #tpu.memory_space<vmem>>
    %dma_start3A_20 = tpu.memref_squeeze %dma_start3A_19 : memref<1x32xi32, #tpu.memory_space<vmem>> -> memref<32xi32, #tpu.memory_space<vmem>>
    %dma_start3A_21 = tpu.memref_slice %arg4[%add3A_12] : memref<2048xi32, #tpu.memory_space<hbm>> -> memref<32xi32, #tpu.memory_space<hbm>>
    tpu.enqueue_dma source(%dma_start3A_21 : memref<32xi32, #tpu.memory_space<hbm>>) target(%dma_start3A_20 : memref<32xi32, #tpu.memory_space<vmem>>) target_semaphore(%arg10 : memref<!tpu.dma_semaphore, #tpu.memory_space<semaphore_mem>>)
    %dma_start3A_22 = arith.constant 0 : i32
    %dma_start3A_23 = arith.constant 0 : i32
    %dma_start3A_24 = tpu.memref_slice %arg8[%dma_start3A_22, %dma_start3A_23] : memref<64x768xf32, #tpu.memory_space<vmem>> -> memref<32x768xf32, #tpu.memory_space<vmem>>
    %dma_start3A_25 = arith.constant 0 : i32
    %dma_start3A_26 = tpu.memref_slice %arg2[%mul3A_2, %dma_start3A_25] : memref<2048x768xf32, #tpu.memory_space<hbm>> -> memref<32x768xf32, #tpu.memory_space<hbm>>
    %dma_start3A_27 = arith.constant 0 : i32
    %dma_start3A_28 = arith.constant 0 : i32
    %dma_start3A_29 = tpu.memref_slice %arg8[%dma_start3A_27, %dma_start3A_28] : memref<64x768xf32, #tpu.memory_space<vmem>> -> memref<32x768xf32, #tpu.memory_space<vmem>>
    %dma_start3A_30 = arith.constant 0 : i32
    %dma_start3A_31 = tpu.memref_slice %arg2[%mul3A_2, %dma_start3A_30] : memref<2048x768xf32, #tpu.memory_space<hbm>> -> memref<32x768xf32, #tpu.memory_space<hbm>>
    tpu.enqueue_dma source(%dma_start3A_31 : memref<32x768xf32, #tpu.memory_space<hbm>>) target(%dma_start3A_29 : memref<32x768xf32, #tpu.memory_space<vmem>>) target_semaphore(%arg11 : memref<!tpu.dma_semaphore, #tpu.memory_space<semaphore_mem>>)
    %add3A_32 = arith.constant 32 : i32
    %add3A_33 = arith.addi %mul3A_2, %add3A_32 : i32
    %dma_start3A_34 = arith.constant 32 : i32
    %dma_start3A_35 = arith.constant 0 : i32
    %dma_start3A_36 = tpu.memref_slice %arg8[%dma_start3A_34, %dma_start3A_35] : memref<64x768xf32, #tpu.memory_space<vmem>> -> memref<32x768xf32, #tpu.memory_space<vmem>>
    %dma_start3A_37 = arith.constant 0 : i32
    %dma_start3A_38 = tpu.memref_slice %arg2[%add3A_33, %dma_start3A_37] : memref<2048x768xf32, #tpu.memory_space<hbm>> -> memref<32x768xf32, #tpu.memory_space<hbm>>
    %dma_start3A_39 = arith.constant 32 : i32
    %dma_start3A_40 = arith.constant 0 : i32
    %dma_start3A_41 = tpu.memref_slice %arg8[%dma_start3A_39, %dma_start3A_40] : memref<64x768xf32, #tpu.memory_space<vmem>> -> memref<32x768xf32, #tpu.memory_space<vmem>>
    %dma_start3A_42 = arith.constant 0 : i32
    %dma_start3A_43 = tpu.memref_slice %arg2[%add3A_33, %dma_start3A_42] : memref<2048x768xf32, #tpu.memory_space<hbm>> -> memref<32x768xf32, #tpu.memory_space<hbm>>
    tpu.enqueue_dma source(%dma_start3A_43 : memref<32x768xf32, #tpu.memory_space<hbm>>) target(%dma_start3A_41 : memref<32x768xf32, #tpu.memory_space<vmem>>) target_semaphore(%arg11 : memref<!tpu.dma_semaphore, #tpu.memory_space<semaphore_mem>>)
    %dma_start3A_44 = arith.constant 0 : i32
    %dma_start3A_45 = tpu.memref_slice %arg3[%mul3A_2, %dma_start3A_44] : memref<2048x128xf32, #tpu.memory_space<hbm>> -> memref<64x128xf32, #tpu.memory_space<hbm>>
    %dma_start3A_46 = arith.constant 0 : i32
    %dma_start3A_47 = tpu.memref_slice %arg3[%mul3A_2, %dma_start3A_46] : memref<2048x128xf32, #tpu.memory_space<hbm>> -> memref<64x128xf32, #tpu.memory_space<hbm>>
    tpu.enqueue_dma source(%dma_start3A_47 : memref<64x128xf32, #tpu.memory_space<hbm>>) target(%arg9 : memref<64x128xf32, #tpu.memory_space<vmem>>) target_semaphore(%arg10 : memref<!tpu.dma_semaphore, #tpu.memory_space<semaphore_mem>>)
    %dma_wait3A = arith.constant 0 : i32
    %dma_wait3A_48 = arith.constant 0 : i32
    %dma_wait3A_49 = tpu.memref_slice %arg7[%dma_wait3A, %dma_wait3A_48] : memref<2x32xi32, #tpu.memory_space<vmem>> -> memref<1x32xi32, #tpu.memory_space<vmem>>
    %dma_wait3A_50 = tpu.memref_squeeze %dma_wait3A_49 : memref<1x32xi32, #tpu.memory_space<vmem>> -> memref<32xi32, #tpu.memory_space<vmem>>
    %dma_wait3A_51 = tpu.memref_slice %arg4[%mul3A_2] : memref<2048xi32, #tpu.memory_space<hbm>> -> memref<32xi32, #tpu.memory_space<hbm>>
    %dma_wait3A_52 = arith.constant 0 : i32
    %dma_wait3A_53 = tpu.memref_slice %arg7[%dma_wait3A, %dma_wait3A_52] : memref<2x32xi32, #tpu.memory_space<vmem>> -> memref<1x32xi32, #tpu.memory_space<vmem>>
    %dma_wait3A_54 = tpu.memref_squeeze %dma_wait3A_53 : memref<1x32xi32, #tpu.memory_space<vmem>> -> memref<32xi32, #tpu.memory_space<vmem>>
    %dma_wait3A_55 = tpu.memref_slice %arg4[%mul3A_2] : memref<2048xi32, #tpu.memory_space<hbm>> -> memref<32xi32, #tpu.memory_space<hbm>>
    tpu.wait_dma2 semaphore(%arg10 : memref<!tpu.dma_semaphore, #tpu.memory_space<semaphore_mem>>) src(%dma_wait3A_55 : memref<32xi32, #tpu.memory_space<hbm>>) dst(%dma_wait3A_54 : memref<32xi32, #tpu.memory_space<vmem>>)
    %dma_wait3A_56 = arith.constant 1 : i32
    %dma_wait3A_57 = arith.constant 0 : i32
    %dma_wait3A_58 = tpu.memref_slice %arg7[%dma_wait3A_56, %dma_wait3A_57] : memref<2x32xi32, #tpu.memory_space<vmem>> -> memref<1x32xi32, #tpu.memory_space<vmem>>
    %dma_wait3A_59 = tpu.memref_squeeze %dma_wait3A_58 : memref<1x32xi32, #tpu.memory_space<vmem>> -> memref<32xi32, #tpu.memory_space<vmem>>
    %dma_wait3A_60 = tpu.memref_slice %arg4[%add3A_12] : memref<2048xi32, #tpu.memory_space<hbm>> -> memref<32xi32, #tpu.memory_space<hbm>>
    %dma_wait3A_61 = arith.constant 0 : i32
    %dma_wait3A_62 = tpu.memref_slice %arg7[%dma_wait3A_56, %dma_wait3A_61] : memref<2x32xi32, #tpu.memory_space<vmem>> -> memref<1x32xi32, #tpu.memory_space<vmem>>
    %dma_wait3A_63 = tpu.memref_squeeze %dma_wait3A_62 : memref<1x32xi32, #tpu.memory_space<vmem>> -> memref<32xi32, #tpu.memory_space<vmem>>
    %dma_wait3A_64 = tpu.memref_slice %arg4[%add3A_12] : memref<2048xi32, #tpu.memory_space<hbm>> -> memref<32xi32, #tpu.memory_space<hbm>>
    tpu.wait_dma2 semaphore(%arg10 : memref<!tpu.dma_semaphore, #tpu.memory_space<semaphore_mem>>) src(%dma_wait3A_64 : memref<32xi32, #tpu.memory_space<hbm>>) dst(%dma_wait3A_63 : memref<32xi32, #tpu.memory_space<vmem>>)
    %dma_wait3A_65 = arith.constant 0 : i32
    %dma_wait3A_66 = arith.constant 0 : i32
    %dma_wait3A_67 = tpu.memref_slice %arg8[%dma_wait3A_65, %dma_wait3A_66] : memref<64x768xf32, #tpu.memory_space<vmem>> -> memref<32x768xf32, #tpu.memory_space<vmem>>
    %dma_wait3A_68 = arith.constant 0 : i32
    %dma_wait3A_69 = tpu.memref_slice %arg2[%mul3A_2, %dma_wait3A_68] : memref<2048x768xf32, #tpu.memory_space<hbm>> -> memref<32x768xf32, #tpu.memory_space<hbm>>
    %dma_wait3A_70 = arith.constant 0 : i32
    %dma_wait3A_71 = arith.constant 0 : i32
    %dma_wait3A_72 = tpu.memref_slice %arg8[%dma_wait3A_70, %dma_wait3A_71] : memref<64x768xf32, #tpu.memory_space<vmem>> -> memref<32x768xf32, #tpu.memory_space<vmem>>
    %dma_wait3A_73 = arith.constant 0 : i32
    %dma_wait3A_74 = tpu.memref_slice %arg2[%mul3A_2, %dma_wait3A_73] : memref<2048x768xf32, #tpu.memory_space<hbm>> -> memref<32x768xf32, #tpu.memory_space<hbm>>
    tpu.wait_dma2 semaphore(%arg11 : memref<!tpu.dma_semaphore, #tpu.memory_space<semaphore_mem>>) src(%dma_wait3A_74 : memref<32x768xf32, #tpu.memory_space<hbm>>) dst(%dma_wait3A_72 : memref<32x768xf32, #tpu.memory_space<vmem>>)
    %dma_start3A_75 = arith.constant 0 : i32
    %dma_start3A_76 = arith.constant 0 : i32
    %dma_start3A_77 = arith.constant 0 : i32
    %dma_start3A_78 = tpu.memref_slice %arg8[%dma_start3A_76, %dma_start3A_77] : memref<64x768xf32, #tpu.memory_space<vmem>> -> memref<32x768xf32, #tpu.memory_space<vmem>>
    %dma_start3A_79 = arith.constant 0 : i32
    %dma_start3A_80 = tpu.memref_slice %arg7[%dma_start3A_75, %dma_start3A_79] : memref<2x32xi32, #tpu.memory_space<vmem>> -> memref<1x32xi32, #tpu.memory_space<vmem>>
    %dma_start3A_81 = tpu.memref_squeeze %dma_start3A_80 : memref<1x32xi32, #tpu.memory_space<vmem>> -> memref<32xi32, #tpu.memory_space<vmem>>
    %dma_start3A_82 = arith.constant 0 : i32
    %dma_start3A_83 = arith.constant 0 : i32
    %dma_start3A_84 = tpu.memref_slice %arg5[%dma_start3A_82, %dma_start3A_83] : memref<6144x768xf32, #tpu.memory_space<hbm>> -> memref<6144x768xf32, #tpu.memory_space<hbm>>
    tpu.enqueue_indirect_dma source(%dma_start3A_78 : memref<32x768xf32, #tpu.memory_space<vmem>>) target(%dma_start3A_84 : memref<6144x768xf32, #tpu.memory_space<hbm>>) offsets(%dma_start3A_81 : memref<32xi32, #tpu.memory_space<vmem>>) semaphore(%arg12 : memref<!tpu.dma_semaphore, #tpu.memory_space<semaphore_mem>>)
    %dma_wait3A_85 = arith.constant 32 : i32
    %dma_wait3A_86 = arith.constant 0 : i32
    %dma_wait3A_87 = tpu.memref_slice %arg8[%dma_wait3A_85, %dma_wait3A_86] : memref<64x768xf32, #tpu.memory_space<vmem>> -> memref<32x768xf32, #tpu.memory_space<vmem>>
    %dma_wait3A_88 = arith.constant 0 : i32
    %dma_wait3A_89 = tpu.memref_slice %arg2[%add3A_33, %dma_wait3A_88] : memref<2048x768xf32, #tpu.memory_space<hbm>> -> memref<32x768xf32, #tpu.memory_space<hbm>>
    %dma_wait3A_90 = arith.constant 32 : i32
    %dma_wait3A_91 = arith.constant 0 : i32
    %dma_wait3A_92 = tpu.memref_slice %arg8[%dma_wait3A_90, %dma_wait3A_91] : memref<64x768xf32, #tpu.memory_space<vmem>> -> memref<32x768xf32, #tpu.memory_space<vmem>>
    %dma_wait3A_93 = arith.constant 0 : i32
    %dma_wait3A_94 = tpu.memref_slice %arg2[%add3A_33, %dma_wait3A_93] : memref<2048x768xf32, #tpu.memory_space<hbm>> -> memref<32x768xf32, #tpu.memory_space<hbm>>
    tpu.wait_dma2 semaphore(%arg11 : memref<!tpu.dma_semaphore, #tpu.memory_space<semaphore_mem>>) src(%dma_wait3A_94 : memref<32x768xf32, #tpu.memory_space<hbm>>) dst(%dma_wait3A_92 : memref<32x768xf32, #tpu.memory_space<vmem>>)
    %dma_start3A_95 = arith.constant 1 : i32
    %dma_start3A_96 = arith.constant 32 : i32
    %dma_start3A_97 = arith.constant 0 : i32
    %dma_start3A_98 = tpu.memref_slice %arg8[%dma_start3A_96, %dma_start3A_97] : memref<64x768xf32, #tpu.memory_space<vmem>> -> memref<32x768xf32, #tpu.memory_space<vmem>>
    %dma_start3A_99 = arith.constant 0 : i32
    %dma_start3A_100 = tpu.memref_slice %arg7[%dma_start3A_95, %dma_start3A_99] : memref<2x32xi32, #tpu.memory_space<vmem>> -> memref<1x32xi32, #tpu.memory_space<vmem>>
    %dma_start3A_101 = tpu.memref_squeeze %dma_start3A_100 : memref<1x32xi32, #tpu.memory_space<vmem>> -> memref<32xi32, #tpu.memory_space<vmem>>
    %dma_start3A_102 = arith.constant 0 : i32
    %dma_start3A_103 = arith.constant 0 : i32
    %dma_start3A_104 = tpu.memref_slice %arg5[%dma_start3A_102, %dma_start3A_103] : memref<6144x768xf32, #tpu.memory_space<hbm>> -> memref<6144x768xf32, #tpu.memory_space<hbm>>
    tpu.enqueue_indirect_dma source(%dma_start3A_98 : memref<32x768xf32, #tpu.memory_space<vmem>>) target(%dma_start3A_104 : memref<6144x768xf32, #tpu.memory_space<hbm>>) offsets(%dma_start3A_101 : memref<32xi32, #tpu.memory_space<vmem>>) semaphore(%arg12 : memref<!tpu.dma_semaphore, #tpu.memory_space<semaphore_mem>>)
    %dma_wait3A_105 = arith.constant 0 : i32
    %dma_wait3A_106 = tpu.memref_slice %arg3[%mul3A_2, %dma_wait3A_105] : memref<2048x128xf32, #tpu.memory_space<hbm>> -> memref<64x128xf32, #tpu.memory_space<hbm>>
    %dma_wait3A_107 = arith.constant 0 : i32
    %dma_wait3A_108 = tpu.memref_slice %arg3[%mul3A_2, %dma_wait3A_107] : memref<2048x128xf32, #tpu.memory_space<hbm>> -> memref<64x128xf32, #tpu.memory_space<hbm>>
    tpu.wait_dma2 semaphore(%arg10 : memref<!tpu.dma_semaphore, #tpu.memory_space<semaphore_mem>>) src(%dma_wait3A_108 : memref<64x128xf32, #tpu.memory_space<hbm>>) dst(%arg9 : memref<64x128xf32, #tpu.memory_space<vmem>>)
    %dma_start3A_109 = arith.constant 0 : i32
    %dma_start3A_110 = arith.constant 0 : i32
    %dma_start3A_111 = arith.constant 0 : i32
    %dma_start3A_112 = tpu.memref_slice %arg9[%dma_start3A_110, %dma_start3A_111] : memref<64x128xf32, #tpu.memory_space<vmem>> -> memref<32x128xf32, #tpu.memory_space<vmem>>
    %dma_start3A_113 = arith.constant 0 : i32
    %dma_start3A_114 = tpu.memref_slice %arg7[%dma_start3A_109, %dma_start3A_113] : memref<2x32xi32, #tpu.memory_space<vmem>> -> memref<1x32xi32, #tpu.memory_space<vmem>>
    %dma_start3A_115 = tpu.memref_squeeze %dma_start3A_114 : memref<1x32xi32, #tpu.memory_space<vmem>> -> memref<32xi32, #tpu.memory_space<vmem>>
    %dma_start3A_116 = arith.constant 0 : i32
    %dma_start3A_117 = arith.constant 0 : i32
    %dma_start3A_118 = tpu.memref_slice %arg6[%dma_start3A_116, %dma_start3A_117] : memref<6144x128xf32, #tpu.memory_space<hbm>> -> memref<6144x128xf32, #tpu.memory_space<hbm>>
    tpu.enqueue_indirect_dma source(%dma_start3A_112 : memref<32x128xf32, #tpu.memory_space<vmem>>) target(%dma_start3A_118 : memref<6144x128xf32, #tpu.memory_space<hbm>>) offsets(%dma_start3A_115 : memref<32xi32, #tpu.memory_space<vmem>>) semaphore(%arg13 : memref<!tpu.dma_semaphore, #tpu.memory_space<semaphore_mem>>)
    %dma_start3A_119 = arith.constant 1 : i32
    %dma_start3A_120 = arith.constant 32 : i32
    %dma_start3A_121 = arith.constant 0 : i32
    %dma_start3A_122 = tpu.memref_slice %arg9[%dma_start3A_120, %dma_start3A_121] : memref<64x128xf32, #tpu.memory_space<vmem>> -> memref<32x128xf32, #tpu.memory_space<vmem>>
    %dma_start3A_123 = arith.constant 0 : i32
    %dma_start3A_124 = tpu.memref_slice %arg7[%dma_start3A_119, %dma_start3A_123] : memref<2x32xi32, #tpu.memory_space<vmem>> -> memref<1x32xi32, #tpu.memory_space<vmem>>
    %dma_start3A_125 = tpu.memref_squeeze %dma_start3A_124 : memref<1x32xi32, #tpu.memory_space<vmem>> -> memref<32xi32, #tpu.memory_space<vmem>>
    %dma_start3A_126 = arith.constant 0 : i32
    %dma_start3A_127 = arith.constant 0 : i32
    %dma_start3A_128 = tpu.memref_slice %arg6[%dma_start3A_126, %dma_start3A_127] : memref<6144x128xf32, #tpu.memory_space<hbm>> -> memref<6144x128xf32, #tpu.memory_space<hbm>>
    tpu.enqueue_indirect_dma source(%dma_start3A_122 : memref<32x128xf32, #tpu.memory_space<vmem>>) target(%dma_start3A_128 : memref<6144x128xf32, #tpu.memory_space<hbm>>) offsets(%dma_start3A_125 : memref<32xi32, #tpu.memory_space<vmem>>) semaphore(%arg13 : memref<!tpu.dma_semaphore, #tpu.memory_space<semaphore_mem>>)
    %dma_wait3A_129 = arith.constant 0 : i32
    %dma_wait3A_130 = arith.constant 0 : i32
    %dma_wait3A_131 = arith.constant 0 : i32
    %dma_wait3A_132 = tpu.memref_slice %arg8[%dma_wait3A_130, %dma_wait3A_131] : memref<64x768xf32, #tpu.memory_space<vmem>> -> memref<32x768xf32, #tpu.memory_space<vmem>>
    %dma_wait3A_133 = arith.constant 0 : i32
    %dma_wait3A_134 = tpu.memref_slice %arg7[%dma_wait3A_129, %dma_wait3A_133] : memref<2x32xi32, #tpu.memory_space<vmem>> -> memref<1x32xi32, #tpu.memory_space<vmem>>
    %dma_wait3A_135 = tpu.memref_squeeze %dma_wait3A_134 : memref<1x32xi32, #tpu.memory_space<vmem>> -> memref<32xi32, #tpu.memory_space<vmem>>
    %dma_wait3A_136 = arith.constant 0 : i32
    %dma_wait3A_137 = arith.constant 0 : i32
    %dma_wait3A_138 = tpu.memref_slice %arg5[%dma_wait3A_136, %dma_wait3A_137] : memref<6144x768xf32, #tpu.memory_space<hbm>> -> memref<6144x768xf32, #tpu.memory_space<hbm>>
    tpu.wait_indirect_dma semaphore(%arg12 : memref<!tpu.dma_semaphore, #tpu.memory_space<semaphore_mem>>) src(%dma_wait3A_132 : memref<32x768xf32, #tpu.memory_space<vmem>>) dst(%dma_wait3A_138 : memref<6144x768xf32, #tpu.memory_space<hbm>>)
    %dma_wait3A_139 = arith.constant 1 : i32
    %dma_wait3A_140 = arith.constant 32 : i32
    %dma_wait3A_141 = arith.constant 0 : i32
    %dma_wait3A_142 = tpu.memref_slice %arg8[%dma_wait3A_140, %dma_wait3A_141] : memref<64x768xf32, #tpu.memory_space<vmem>> -> memref<32x768xf32, #tpu.memory_space<vmem>>
    %dma_wait3A_143 = arith.constant 0 : i32
    %dma_wait3A_144 = tpu.memref_slice %arg7[%dma_wait3A_139, %dma_wait3A_143] : memref<2x32xi32, #tpu.memory_space<vmem>> -> memref<1x32xi32, #tpu.memory_space<vmem>>
    %dma_wait3A_145 = tpu.memref_squeeze %dma_wait3A_144 : memref<1x32xi32, #tpu.memory_space<vmem>> -> memref<32xi32, #tpu.memory_space<vmem>>
    %dma_wait3A_146 = arith.constant 0 : i32
    %dma_wait3A_147 = arith.constant 0 : i32
    %dma_wait3A_148 = tpu.memref_slice %arg5[%dma_wait3A_146, %dma_wait3A_147] : memref<6144x768xf32, #tpu.memory_space<hbm>> -> memref<6144x768xf32, #tpu.memory_space<hbm>>
    tpu.wait_indirect_dma semaphore(%arg12 : memref<!tpu.dma_semaphore, #tpu.memory_space<semaphore_mem>>) src(%dma_wait3A_142 : memref<32x768xf32, #tpu.memory_space<vmem>>) dst(%dma_wait3A_148 : memref<6144x768xf32, #tpu.memory_space<hbm>>)
    %dma_wait3A_149 = arith.constant 0 : i32
    %dma_wait3A_150 = arith.constant 0 : i32
    %dma_wait3A_151 = arith.constant 0 : i32
    %dma_wait3A_152 = tpu.memref_slice %arg9[%dma_wait3A_150, %dma_wait3A_151] : memref<64x128xf32, #tpu.memory_space<vmem>> -> memref<32x128xf32, #tpu.memory_space<vmem>>
    %dma_wait3A_153 = arith.constant 0 : i32
    %dma_wait3A_154 = tpu.memref_slice %arg7[%dma_wait3A_149, %dma_wait3A_153] : memref<2x32xi32, #tpu.memory_space<vmem>> -> memref<1x32xi32, #tpu.memory_space<vmem>>
    %dma_wait3A_155 = tpu.memref_squeeze %dma_wait3A_154 : memref<1x32xi32, #tpu.memory_space<vmem>> -> memref<32xi32, #tpu.memory_space<vmem>>
    %dma_wait3A_156 = arith.constant 0 : i32
    %dma_wait3A_157 = arith.constant 0 : i32
    %dma_wait3A_158 = tpu.memref_slice %arg6[%dma_wait3A_156, %dma_wait3A_157] : memref<6144x128xf32, #tpu.memory_space<hbm>> -> memref<6144x128xf32, #tpu.memory_space<hbm>>
    tpu.wait_indirect_dma semaphore(%arg13 : memref<!tpu.dma_semaphore, #tpu.memory_space<semaphore_mem>>) src(%dma_wait3A_152 : memref<32x128xf32, #tpu.memory_space<vmem>>) dst(%dma_wait3A_158 : memref<6144x128xf32, #tpu.memory_space<hbm>>)
    %dma_wait3A_159 = arith.constant 1 : i32
    %dma_wait3A_160 = arith.constant 32 : i32
    %dma_wait3A_161 = arith.constant 0 : i32
    %dma_wait3A_162 = tpu.memref_slice %arg9[%dma_wait3A_160, %dma_wait3A_161] : memref<64x128xf32, #tpu.memory_space<vmem>> -> memref<32x128xf32, #tpu.memory_space<vmem>>
    %dma_wait3A_163 = arith.constant 0 : i32
    %dma_wait3A_164 = tpu.memref_slice %arg7[%dma_wait3A_159, %dma_wait3A_163] : memref<2x32xi32, #tpu.memory_space<vmem>> -> memref<1x32xi32, #tpu.memory_space<vmem>>
    %dma_wait3A_165 = tpu.memref_squeeze %dma_wait3A_164 : memref<1x32xi32, #tpu.memory_space<vmem>> -> memref<32xi32, #tpu.memory_space<vmem>>
    %dma_wait3A_166 = arith.constant 0 : i32
    %dma_wait3A_167 = arith.constant 0 : i32
    %dma_wait3A_168 = tpu.memref_slice %arg6[%dma_wait3A_166, %dma_wait3A_167] : memref<6144x128xf32, #tpu.memory_space<hbm>> -> memref<6144x128xf32, #tpu.memory_space<hbm>>
    tpu.wait_indirect_dma semaphore(%arg13 : memref<!tpu.dma_semaphore, #tpu.memory_space<semaphore_mem>>) src(%dma_wait3A_162 : memref<32x128xf32, #tpu.memory_space<vmem>>) dst(%dma_wait3A_168 : memref<6144x128xf32, #tpu.memory_space<hbm>>)
    return
  }
}

#map = affine_map<(d0, d1) -> (0, 0)>
#map1 = affine_map<(d0, d1) -> (0)>
module attributes {stable_mosaic.version = 14 : i64} {
  func.func @body(%arg0: i32, %arg1: i32, %arg2: memref<6144x768xf32, #tpu.memory_space<hbm>>, %arg3: memref<2048xi32, #tpu.memory_space<hbm>>, %arg4: memref<2048x768xf32, #tpu.memory_space<hbm>>, %arg5: memref<64xi32, #tpu.memory_space<vmem>>, %arg6: memref<64x768xf32, #tpu.memory_space<vmem>>, %arg7: memref<!tpu.dma_semaphore, #tpu.memory_space<semaphore_mem>>, %arg8: memref<!tpu.dma_semaphore, #tpu.memory_space<semaphore_mem>>, %arg9: memref<!tpu.dma_semaphore, #tpu.memory_space<semaphore_mem>>) attributes {dimension_semantics = [#tpu.dimension_semantics<core_parallel>, #tpu.dimension_semantics<subcore_parallel>], iteration_bounds = array<i64: 2, 16>, scalar_prefetch = 0 : i64, scratch_operands = 5 : i64, tpu.core_type = #tpu.core_type<sc_vector_subcore>, window_params = [{transform_indices = #map}, {transform_indices = #map1}, {transform_indices = #map}]} {
    %mul3A = arith.constant 2 : i32
    %mul3A_0 = arith.muli %arg1, %mul3A : i32
    %add3A = arith.addi %mul3A_0, %arg0 : i32
    %mul3A_1 = arith.constant 64 : i32
    %mul3A_2 = arith.muli %add3A, %mul3A_1 : i32
    "tpu.region"() ({
      %run_scoped3A = tpu.sem_alloc : memref<!tpu.dma_semaphore, #tpu.memory_space<semaphore_mem>>
      %dma_start3A_75 = tpu.memref_slice %arg3[%mul3A_2] : memref<2048xi32, #tpu.memory_space<hbm>> -> memref<64xi32, #tpu.memory_space<hbm>>
      %dma_start3A_76 = tpu.memref_slice %arg3[%mul3A_2] : memref<2048xi32, #tpu.memory_space<hbm>> -> memref<64xi32, #tpu.memory_space<hbm>>
      tpu.enqueue_dma source(%dma_start3A_76 : memref<64xi32, #tpu.memory_space<hbm>>) target(%arg5 : memref<64xi32, #tpu.memory_space<vmem>>) target_semaphore(%run_scoped3A : memref<!tpu.dma_semaphore, #tpu.memory_space<semaphore_mem>>)
      %dma_wait3A_77 = tpu.memref_slice %arg3[%mul3A_2] : memref<2048xi32, #tpu.memory_space<hbm>> -> memref<64xi32, #tpu.memory_space<hbm>>
      %dma_wait3A_78 = tpu.memref_slice %arg3[%mul3A_2] : memref<2048xi32, #tpu.memory_space<hbm>> -> memref<64xi32, #tpu.memory_space<hbm>>
      tpu.wait_dma2 semaphore(%run_scoped3A : memref<!tpu.dma_semaphore, #tpu.memory_space<semaphore_mem>>) src(%dma_wait3A_78 : memref<64xi32, #tpu.memory_space<hbm>>) dst(%arg5 : memref<64xi32, #tpu.memory_space<vmem>>)
      tpu.yield
    }) : () -> ()
    %dma_start3A = arith.constant 0 : i32
    %dma_start3A_3 = arith.constant 0 : i32
    %dma_start3A_4 = tpu.memref_slice %arg6[%dma_start3A, %dma_start3A_3] : memref<64x768xf32, #tpu.memory_space<vmem>> -> memref<32x768xf32, #tpu.memory_space<vmem>>
    %dma_start3A_5 = arith.constant 0 : i32
    %dma_start3A_6 = tpu.memref_slice %arg5[%dma_start3A_5] : memref<64xi32, #tpu.memory_space<vmem>> -> memref<32xi32, #tpu.memory_space<vmem>>
    %dma_start3A_7 = arith.constant 0 : i32
    %dma_start3A_8 = arith.constant 0 : i32
    %dma_start3A_9 = tpu.memref_slice %arg2[%dma_start3A_7, %dma_start3A_8] : memref<6144x768xf32, #tpu.memory_space<hbm>> -> memref<6144x768xf32, #tpu.memory_space<hbm>>
    tpu.enqueue_indirect_dma source(%dma_start3A_9 : memref<6144x768xf32, #tpu.memory_space<hbm>>) target(%dma_start3A_4 : memref<32x768xf32, #tpu.memory_space<vmem>>) offsets(%dma_start3A_6 : memref<32xi32, #tpu.memory_space<vmem>>) semaphore(%arg7 : memref<!tpu.dma_semaphore, #tpu.memory_space<semaphore_mem>>)
    %dma_start3A_10 = arith.constant 32 : i32
    %dma_start3A_11 = arith.constant 0 : i32
    %dma_start3A_12 = tpu.memref_slice %arg6[%dma_start3A_10, %dma_start3A_11] : memref<64x768xf32, #tpu.memory_space<vmem>> -> memref<32x768xf32, #tpu.memory_space<vmem>>
    %dma_start3A_13 = arith.constant 32 : i32
    %dma_start3A_14 = tpu.memref_slice %arg5[%dma_start3A_13] : memref<64xi32, #tpu.memory_space<vmem>> -> memref<32xi32, #tpu.memory_space<vmem>>
    %dma_start3A_15 = arith.constant 0 : i32
    %dma_start3A_16 = arith.constant 0 : i32
    %dma_start3A_17 = tpu.memref_slice %arg2[%dma_start3A_15, %dma_start3A_16] : memref<6144x768xf32, #tpu.memory_space<hbm>> -> memref<6144x768xf32, #tpu.memory_space<hbm>>
    tpu.enqueue_indirect_dma source(%dma_start3A_17 : memref<6144x768xf32, #tpu.memory_space<hbm>>) target(%dma_start3A_12 : memref<32x768xf32, #tpu.memory_space<vmem>>) offsets(%dma_start3A_14 : memref<32xi32, #tpu.memory_space<vmem>>) semaphore(%arg8 : memref<!tpu.dma_semaphore, #tpu.memory_space<semaphore_mem>>)
    %dma_wait3A = arith.constant 0 : i32
    %dma_wait3A_18 = arith.constant 0 : i32
    %dma_wait3A_19 = tpu.memref_slice %arg6[%dma_wait3A, %dma_wait3A_18] : memref<64x768xf32, #tpu.memory_space<vmem>> -> memref<32x768xf32, #tpu.memory_space<vmem>>
    %dma_wait3A_20 = arith.constant 0 : i32
    %dma_wait3A_21 = tpu.memref_slice %arg5[%dma_wait3A_20] : memref<64xi32, #tpu.memory_space<vmem>> -> memref<32xi32, #tpu.memory_space<vmem>>
    %dma_wait3A_22 = arith.constant 0 : i32
    %dma_wait3A_23 = arith.constant 0 : i32
    %dma_wait3A_24 = tpu.memref_slice %arg2[%dma_wait3A_22, %dma_wait3A_23] : memref<6144x768xf32, #tpu.memory_space<hbm>> -> memref<6144x768xf32, #tpu.memory_space<hbm>>
    tpu.wait_indirect_dma semaphore(%arg7 : memref<!tpu.dma_semaphore, #tpu.memory_space<semaphore_mem>>) src(%dma_wait3A_24 : memref<6144x768xf32, #tpu.memory_space<hbm>>) dst(%dma_wait3A_19 : memref<32x768xf32, #tpu.memory_space<vmem>>)
    %dma_start3A_25 = arith.constant 0 : i32
    %dma_start3A_26 = arith.constant 0 : i32
    %dma_start3A_27 = tpu.memref_slice %arg6[%dma_start3A_25, %dma_start3A_26] : memref<64x768xf32, #tpu.memory_space<vmem>> -> memref<32x768xf32, #tpu.memory_space<vmem>>
    %dma_start3A_28 = arith.constant 0 : i32
    %dma_start3A_29 = tpu.memref_slice %arg4[%mul3A_2, %dma_start3A_28] : memref<2048x768xf32, #tpu.memory_space<hbm>> -> memref<32x768xf32, #tpu.memory_space<hbm>>
    %dma_start3A_30 = arith.constant 0 : i32
    %dma_start3A_31 = tpu.memref_slice %arg4[%mul3A_2, %dma_start3A_30] : memref<2048x768xf32, #tpu.memory_space<hbm>> -> memref<32x768xf32, #tpu.memory_space<hbm>>
    %dma_start3A_32 = arith.constant 0 : i32
    %dma_start3A_33 = arith.constant 0 : i32
    %dma_start3A_34 = tpu.memref_slice %arg6[%dma_start3A_32, %dma_start3A_33] : memref<64x768xf32, #tpu.memory_space<vmem>> -> memref<32x768xf32, #tpu.memory_space<vmem>>
    tpu.enqueue_dma source(%dma_start3A_34 : memref<32x768xf32, #tpu.memory_space<vmem>>) target(%dma_start3A_31 : memref<32x768xf32, #tpu.memory_space<hbm>>) target_semaphore(%arg9 : memref<!tpu.dma_semaphore, #tpu.memory_space<semaphore_mem>>)
    %dma_wait3A_35 = arith.constant 32 : i32
    %dma_wait3A_36 = arith.constant 0 : i32
    %dma_wait3A_37 = tpu.memref_slice %arg6[%dma_wait3A_35, %dma_wait3A_36] : memref<64x768xf32, #tpu.memory_space<vmem>> -> memref<32x768xf32, #tpu.memory_space<vmem>>
    %dma_wait3A_38 = arith.constant 32 : i32
    %dma_wait3A_39 = tpu.memref_slice %arg5[%dma_wait3A_38] : memref<64xi32, #tpu.memory_space<vmem>> -> memref<32xi32, #tpu.memory_space<vmem>>
    %dma_wait3A_40 = arith.constant 0 : i32
    %dma_wait3A_41 = arith.constant 0 : i32
    %dma_wait3A_42 = tpu.memref_slice %arg2[%dma_wait3A_40, %dma_wait3A_41] : memref<6144x768xf32, #tpu.memory_space<hbm>> -> memref<6144x768xf32, #tpu.memory_space<hbm>>
    tpu.wait_indirect_dma semaphore(%arg8 : memref<!tpu.dma_semaphore, #tpu.memory_space<semaphore_mem>>) src(%dma_wait3A_42 : memref<6144x768xf32, #tpu.memory_space<hbm>>) dst(%dma_wait3A_37 : memref<32x768xf32, #tpu.memory_space<vmem>>)
    %add3A_43 = arith.constant 32 : i32
    %add3A_44 = arith.addi %mul3A_2, %add3A_43 : i32
    %dma_start3A_45 = arith.constant 32 : i32
    %dma_start3A_46 = arith.constant 0 : i32
    %dma_start3A_47 = tpu.memref_slice %arg6[%dma_start3A_45, %dma_start3A_46] : memref<64x768xf32, #tpu.memory_space<vmem>> -> memref<32x768xf32, #tpu.memory_space<vmem>>
    %dma_start3A_48 = arith.constant 0 : i32
    %dma_start3A_49 = tpu.memref_slice %arg4[%add3A_44, %dma_start3A_48] : memref<2048x768xf32, #tpu.memory_space<hbm>> -> memref<32x768xf32, #tpu.memory_space<hbm>>
    %dma_start3A_50 = arith.constant 0 : i32
    %dma_start3A_51 = tpu.memref_slice %arg4[%add3A_44, %dma_start3A_50] : memref<2048x768xf32, #tpu.memory_space<hbm>> -> memref<32x768xf32, #tpu.memory_space<hbm>>
    %dma_start3A_52 = arith.constant 32 : i32
    %dma_start3A_53 = arith.constant 0 : i32
    %dma_start3A_54 = tpu.memref_slice %arg6[%dma_start3A_52, %dma_start3A_53] : memref<64x768xf32, #tpu.memory_space<vmem>> -> memref<32x768xf32, #tpu.memory_space<vmem>>
    tpu.enqueue_dma source(%dma_start3A_54 : memref<32x768xf32, #tpu.memory_space<vmem>>) target(%dma_start3A_51 : memref<32x768xf32, #tpu.memory_space<hbm>>) target_semaphore(%arg9 : memref<!tpu.dma_semaphore, #tpu.memory_space<semaphore_mem>>)
    %dma_wait3A_55 = arith.constant 0 : i32
    %dma_wait3A_56 = arith.constant 0 : i32
    %dma_wait3A_57 = tpu.memref_slice %arg6[%dma_wait3A_55, %dma_wait3A_56] : memref<64x768xf32, #tpu.memory_space<vmem>> -> memref<32x768xf32, #tpu.memory_space<vmem>>
    %dma_wait3A_58 = arith.constant 0 : i32
    %dma_wait3A_59 = tpu.memref_slice %arg4[%mul3A_2, %dma_wait3A_58] : memref<2048x768xf32, #tpu.memory_space<hbm>> -> memref<32x768xf32, #tpu.memory_space<hbm>>
    %dma_wait3A_60 = arith.constant 0 : i32
    %dma_wait3A_61 = tpu.memref_slice %arg4[%mul3A_2, %dma_wait3A_60] : memref<2048x768xf32, #tpu.memory_space<hbm>> -> memref<32x768xf32, #tpu.memory_space<hbm>>
    %dma_wait3A_62 = arith.constant 0 : i32
    %dma_wait3A_63 = arith.constant 0 : i32
    %dma_wait3A_64 = tpu.memref_slice %arg6[%dma_wait3A_62, %dma_wait3A_63] : memref<64x768xf32, #tpu.memory_space<vmem>> -> memref<32x768xf32, #tpu.memory_space<vmem>>
    tpu.wait_dma2 semaphore(%arg9 : memref<!tpu.dma_semaphore, #tpu.memory_space<semaphore_mem>>) src(%dma_wait3A_64 : memref<32x768xf32, #tpu.memory_space<vmem>>) dst(%dma_wait3A_61 : memref<32x768xf32, #tpu.memory_space<hbm>>)
    %dma_wait3A_65 = arith.constant 32 : i32
    %dma_wait3A_66 = arith.constant 0 : i32
    %dma_wait3A_67 = tpu.memref_slice %arg6[%dma_wait3A_65, %dma_wait3A_66] : memref<64x768xf32, #tpu.memory_space<vmem>> -> memref<32x768xf32, #tpu.memory_space<vmem>>
    %dma_wait3A_68 = arith.constant 0 : i32
    %dma_wait3A_69 = tpu.memref_slice %arg4[%add3A_44, %dma_wait3A_68] : memref<2048x768xf32, #tpu.memory_space<hbm>> -> memref<32x768xf32, #tpu.memory_space<hbm>>
    %dma_wait3A_70 = arith.constant 0 : i32
    %dma_wait3A_71 = tpu.memref_slice %arg4[%add3A_44, %dma_wait3A_70] : memref<2048x768xf32, #tpu.memory_space<hbm>> -> memref<32x768xf32, #tpu.memory_space<hbm>>
    %dma_wait3A_72 = arith.constant 32 : i32
    %dma_wait3A_73 = arith.constant 0 : i32
    %dma_wait3A_74 = tpu.memref_slice %arg6[%dma_wait3A_72, %dma_wait3A_73] : memref<64x768xf32, #tpu.memory_space<vmem>> -> memref<32x768xf32, #tpu.memory_space<vmem>>
    tpu.wait_dma2 semaphore(%arg9 : memref<!tpu.dma_semaphore, #tpu.memory_space<semaphore_mem>>) src(%dma_wait3A_74 : memref<32x768xf32, #tpu.memory_space<vmem>>) dst(%dma_wait3A_71 : memref<32x768xf32, #tpu.memory_space<hbm>>)
    return
  }
}

module attributes {stable_mosaic.version = 14 : i64} {
  func.func @_gmm_body(%arg0: i32, %arg1: memref<24xi32, #tpu.memory_space<smem>>, %arg2: memref<1xi32, #tpu.memory_space<smem>>, %arg3: memref<256x768xf32, #tpu.memory_space<vmem>>, %arg4: memref<256x128xf32, #tpu.memory_space<vmem>>, %arg5: memref<1x768x768xf32, #tpu.memory_space<vmem>>, %arg6: memref<1x768x768xf32, #tpu.memory_space<vmem>>, %arg7: memref<1x768x768xf32, #tpu.memory_space<vmem>>, %arg8: memref<768x768xf32, #tpu.memory_space<vmem>>, %arg9: memref<768x768xf32, #tpu.memory_space<vmem>>, %arg10: memref<768x768xf32, #tpu.memory_space<vmem>>, %arg11: memref<256x768xf32, #tpu.memory_space<vmem>>) attributes {dimension_semantics = [#tpu.dimension_semantics<arbitrary>], iteration_bounds = array<i64: 24>, scalar_prefetch = 2 : i64, scratch_operands = 0 : i64, tpu.core_type = #tpu.core_type<tc>, window_params = [{transform_indices = @transform_0, window_bounds = array<i64: 256, 768>}, {transform_indices = @transform_1, window_bounds = array<i64: 256, 128>}, {transform_indices = @transform_2, window_bounds = array<i64: 1, 768, 768>}, {transform_indices = @transform_3, window_bounds = array<i64: 1, 768, 768>}, {transform_indices = @transform_4, window_bounds = array<i64: 1, 768, 768>}, {pipeline_mode = #tpu.pipeline_mode<synchronous>, transform_indices = @transform_5, window_bounds = array<i64: 768, 768>}, {pipeline_mode = #tpu.pipeline_mode<synchronous>, transform_indices = @transform_6, window_bounds = array<i64: 768, 768>}, {pipeline_mode = #tpu.pipeline_mode<synchronous>, transform_indices = @transform_7, window_bounds = array<i64: 768, 768>}, {transform_indices = @transform_8, window_bounds = array<i64: 256, 768>}]} {
    %get3A = arith.constant 0 : index
    %get3A_0 = memref.load %arg2[%get3A] : memref<1xi32, #tpu.memory_space<smem>>
    %lt3A = arith.cmpi slt, %arg0, %get3A_0 : i32
    %convert_element_type3A = arith.extui %lt3A : i1 to i32
    %cond3A = arith.constant 0 : i32
    %cond3A_1 = arith.cmpi ne, %convert_element_type3A, %cond3A : i32
    scf.if %cond3A_1 {
      %get3A_2 = arith.constant 0 : index
      %get3A_3 = arith.constant 0 : index
      %get3A_4 = vector.load %arg3[%get3A_2, %get3A_3] : memref<256x768xf32, #tpu.memory_space<vmem>>, vector<256x768xf32>
      %get3A_5 = arith.constant 0 : index
      %get3A_6 = arith.constant 0 : index
      %get3A_7 = vector.load %arg4[%get3A_5, %get3A_6] : memref<256x128xf32, #tpu.memory_space<vmem>>, vector<256x1xf32>
      %mul3A = vector.broadcast %get3A_7 : vector<256x1xf32> to vector<256x768xf32>
      %mul3A_8 = arith.mulf %get3A_4, %mul3A : vector<256x768xf32>
      %get3A_9 = arith.constant 0 : index
      %get3A_10 = arith.constant 0 : index
      %get3A_11 = arith.constant 0 : index
      %get3A_12 = vector.load %arg5[%get3A_9, %get3A_10, %get3A_11] : memref<1x768x768xf32, #tpu.memory_space<vmem>>, vector<1x768x768xf32>
      %get3A_13 = vector.shape_cast %get3A_12 : vector<1x768x768xf32> to vector<768x768xf32>
      %dot_general3A = arith.constant dense<0.000000e+00> : vector<256x768xf32>
      %dot_general3A_14 = tpu.matmul %mul3A_8, %get3A_13, %dot_general3A {dimension_numbers = #tpu.dot_dimension_numbers<[1], [0], [0], [1], [0, 0, 1, 1], [], []>, transpose_lhs_hint = false} : vector<256x768xf32>, vector<768x768xf32>, vector<256x768xf32> -> vector<256x768xf32>
      %get3A_15 = arith.constant 0 : index
      %get3A_16 = arith.constant 0 : index
      %get3A_17 = arith.constant 0 : index
      %get3A_18 = vector.load %arg6[%get3A_15, %get3A_16, %get3A_17] : memref<1x768x768xf32, #tpu.memory_space<vmem>>, vector<1x768x768xf32>
      %get3A_19 = vector.shape_cast %get3A_18 : vector<1x768x768xf32> to vector<768x768xf32>
      %dot_general3A_20 = arith.constant dense<0.000000e+00> : vector<256x768xf32>
      %dot_general3A_21 = tpu.matmul %mul3A_8, %get3A_19, %dot_general3A_20 {dimension_numbers = #tpu.dot_dimension_numbers<[1], [0], [0], [1], [0, 0, 1, 1], [], []>, transpose_lhs_hint = false} : vector<256x768xf32>, vector<768x768xf32>, vector<256x768xf32> -> vector<256x768xf32>
      %neg3A = arith.constant 0.000000e+00 : f32
      %neg3A_22 = vector.broadcast %neg3A : f32 to vector<256x768xf32>
      %neg3A_23 = arith.subf %neg3A_22, %dot_general3A_14 : vector<256x768xf32>
      %exp3A = math.exp %neg3A_23 : vector<256x768xf32>
      %add3A = arith.constant 1.000000e+00 : f32
      %add3A_24 = vector.broadcast %add3A : f32 to vector<256x768xf32>
      %add3A_25 = arith.addf %add3A_24, %exp3A : vector<256x768xf32>
      %div3A = arith.constant 1.000000e+00 : f32
      %div3A_26 = vector.broadcast %div3A : f32 to vector<256x768xf32>
      %div3A_27 = arith.divf %div3A_26, %add3A_25 : vector<256x768xf32>
      %mul3A_28 = arith.mulf %dot_general3A_14, %div3A_27 : vector<256x768xf32>
      %mul3A_29 = arith.mulf %mul3A_28, %dot_general3A_21 : vector<256x768xf32>
      %get3A_30 = arith.constant 0 : index
      %get3A_31 = arith.constant 0 : index
      %get3A_32 = vector.load %arg8[%get3A_30, %get3A_31] : memref<768x768xf32, #tpu.memory_space<vmem>>, vector<768x768xf32>
      %dot_general3A_33 = arith.constant dense<0.000000e+00> : vector<256x768xf32>
      %dot_general3A_34 = tpu.matmul %get3A_4, %get3A_32, %dot_general3A_33 {dimension_numbers = #tpu.dot_dimension_numbers<[1], [0], [0], [1], [0, 0, 1, 1], [], []>, transpose_lhs_hint = false} : vector<256x768xf32>, vector<768x768xf32>, vector<256x768xf32> -> vector<256x768xf32>
      %get3A_35 = arith.constant 0 : index
      %get3A_36 = arith.constant 0 : index
      %get3A_37 = vector.load %arg9[%get3A_35, %get3A_36] : memref<768x768xf32, #tpu.memory_space<vmem>>, vector<768x768xf32>
      %dot_general3A_38 = arith.constant dense<0.000000e+00> : vector<256x768xf32>
      %dot_general3A_39 = tpu.matmul %get3A_4, %get3A_37, %dot_general3A_38 {dimension_numbers = #tpu.dot_dimension_numbers<[1], [0], [0], [1], [0, 0, 1, 1], [], []>, transpose_lhs_hint = false} : vector<256x768xf32>, vector<768x768xf32>, vector<256x768xf32> -> vector<256x768xf32>
      %neg3A_40 = arith.constant 0.000000e+00 : f32
      %neg3A_41 = vector.broadcast %neg3A_40 : f32 to vector<256x768xf32>
      %neg3A_42 = arith.subf %neg3A_41, %dot_general3A_34 : vector<256x768xf32>
      %exp3A_43 = math.exp %neg3A_42 : vector<256x768xf32>
      %add3A_44 = arith.constant 1.000000e+00 : f32
      %add3A_45 = vector.broadcast %add3A_44 : f32 to vector<256x768xf32>
      %add3A_46 = arith.addf %add3A_45, %exp3A_43 : vector<256x768xf32>
      %div3A_47 = arith.constant 1.000000e+00 : f32
      %div3A_48 = vector.broadcast %div3A_47 : f32 to vector<256x768xf32>
      %div3A_49 = arith.divf %div3A_48, %add3A_46 : vector<256x768xf32>
      %mul3A_50 = arith.mulf %dot_general3A_34, %div3A_49 : vector<256x768xf32>
      %mul3A_51 = arith.mulf %mul3A_50, %dot_general3A_39 : vector<256x768xf32>
      %get3A_52 = arith.constant 0 : index
      %get3A_53 = arith.constant 0 : index
      %get3A_54 = arith.constant 0 : index
      %get3A_55 = vector.load %arg7[%get3A_52, %get3A_53, %get3A_54] : memref<1x768x768xf32, #tpu.memory_space<vmem>>, vector<1x768x768xf32>
      %get3A_56 = vector.shape_cast %get3A_55 : vector<1x768x768xf32> to vector<768x768xf32>
      %dot_general3A_57 = arith.constant dense<0.000000e+00> : vector<256x768xf32>
      %dot_general3A_58 = tpu.matmul %mul3A_29, %get3A_56, %dot_general3A_57 {dimension_numbers = #tpu.dot_dimension_numbers<[1], [0], [0], [1], [0, 0, 1, 1], [], []>, transpose_lhs_hint = false} : vector<256x768xf32>, vector<768x768xf32>, vector<256x768xf32> -> vector<256x768xf32>
      %get3A_59 = arith.constant 0 : index
      %get3A_60 = arith.constant 0 : index
      %get3A_61 = vector.load %arg10[%get3A_59, %get3A_60] : memref<768x768xf32, #tpu.memory_space<vmem>>, vector<768x768xf32>
      %dot_general3A_62 = arith.constant dense<0.000000e+00> : vector<256x768xf32>
      %dot_general3A_63 = tpu.matmul %mul3A_51, %get3A_61, %dot_general3A_62 {dimension_numbers = #tpu.dot_dimension_numbers<[1], [0], [0], [1], [0, 0, 1, 1], [], []>, transpose_lhs_hint = false} : vector<256x768xf32>, vector<768x768xf32>, vector<256x768xf32> -> vector<256x768xf32>
      %add3A_64 = arith.addf %dot_general3A_58, %dot_general3A_63 : vector<256x768xf32>
      %swap3A = arith.constant 0 : index
      %swap3A_65 = arith.constant 0 : index
      %swap3A_66 = vector.load %arg11[%swap3A, %swap3A_65] : memref<256x768xf32, #tpu.memory_space<vmem>>, vector<256x768xf32>
      tpu.vector_store %arg11[%swap3A, %swap3A_65], %add3A_64 {strides = array<i32>} : memref<256x768xf32, #tpu.memory_space<vmem>>, vector<256x768xf32>,
    } else {
    }
    return
  }
  func.func @transform_0(%arg0: i32, %arg1: memref<24xi32, #tpu.memory_space<smem>>, %arg2: memref<1xi32, #tpu.memory_space<smem>>) -> (i32, i32) {
    %get3A = arith.constant 0 : index
    %get3A_0 = memref.load %arg2[%get3A] : memref<1xi32, #tpu.memory_space<smem>>
    %sub3A = arith.constant 1 : i32
    %sub3A_1 = arith.subi %get3A_0, %sub3A : i32
    %min3A = arith.minsi %arg0, %sub3A_1 : i32
    %c0_i32 = arith.constant 0 : i32
    %c0_i32_2 = arith.constant 0 : i32
    return %min3A, %c0_i32 : i32, i32
  }
  func.func @transform_1(%arg0: i32, %arg1: memref<24xi32, #tpu.memory_space<smem>>, %arg2: memref<1xi32, #tpu.memory_space<smem>>) -> (i32, i32) {
    %get3A = arith.constant 0 : index
    %get3A_0 = memref.load %arg2[%get3A] : memref<1xi32, #tpu.memory_space<smem>>
    %sub3A = arith.constant 1 : i32
    %sub3A_1 = arith.subi %get3A_0, %sub3A : i32
    %min3A = arith.minsi %arg0, %sub3A_1 : i32
    %c0_i32 = arith.constant 0 : i32
    %c0_i32_2 = arith.constant 0 : i32
    return %min3A, %c0_i32 : i32, i32
  }
  func.func @transform_2(%arg0: i32, %arg1: memref<24xi32, #tpu.memory_space<smem>>, %arg2: memref<1xi32, #tpu.memory_space<smem>>) -> (i32, i32, i32) {
    %get3A = arith.index_cast %arg0 : i32 to index
    %get3A_0 = memref.load %arg1[%get3A] : memref<24xi32, #tpu.memory_space<smem>>
    %c0_i32 = arith.constant 0 : i32
    %c0_i32_1 = arith.constant 0 : i32
    %c0_i32_2 = arith.constant 0 : i32
    return %get3A_0, %c0_i32, %c0_i32_1 : i32, i32, i32
  }
  func.func @transform_3(%arg0: i32, %arg1: memref<24xi32, #tpu.memory_space<smem>>, %arg2: memref<1xi32, #tpu.memory_space<smem>>) -> (i32, i32, i32) {
    %get3A = arith.index_cast %arg0 : i32 to index
    %get3A_0 = memref.load %arg1[%get3A] : memref<24xi32, #tpu.memory_space<smem>>
    %c0_i32 = arith.constant 0 : i32
    %c0_i32_1 = arith.constant 0 : i32
    %c0_i32_2 = arith.constant 0 : i32
    return %get3A_0, %c0_i32, %c0_i32_1 : i32, i32, i32
  }
  func.func @transform_4(%arg0: i32, %arg1: memref<24xi32, #tpu.memory_space<smem>>, %arg2: memref<1xi32, #tpu.memory_space<smem>>) -> (i32, i32, i32) {
    %get3A = arith.index_cast %arg0 : i32 to index
    %get3A_0 = memref.load %arg1[%get3A] : memref<24xi32, #tpu.memory_space<smem>>
    %c0_i32 = arith.constant 0 : i32
    %c0_i32_1 = arith.constant 0 : i32
    %c0_i32_2 = arith.constant 0 : i32
    return %get3A_0, %c0_i32, %c0_i32_1 : i32, i32, i32
  }
  func.func @transform_5(%arg0: i32, %arg1: memref<24xi32, #tpu.memory_space<smem>>, %arg2: memref<1xi32, #tpu.memory_space<smem>>) -> (i32, i32) {
    %c0_i32 = arith.constant 0 : i32
    %c0_i32_0 = arith.constant 0 : i32
    %c0_i32_1 = arith.constant 0 : i32
    return %c0_i32, %c0_i32_0 : i32, i32
  }
  func.func @transform_6(%arg0: i32, %arg1: memref<24xi32, #tpu.memory_space<smem>>, %arg2: memref<1xi32, #tpu.memory_space<smem>>) -> (i32, i32) {
    %c0_i32 = arith.constant 0 : i32
    %c0_i32_0 = arith.constant 0 : i32
    %c0_i32_1 = arith.constant 0 : i32
    return %c0_i32, %c0_i32_0 : i32, i32
  }
  func.func @transform_7(%arg0: i32, %arg1: memref<24xi32, #tpu.memory_space<smem>>, %arg2: memref<1xi32, #tpu.memory_space<smem>>) -> (i32, i32) {
    %c0_i32 = arith.constant 0 : i32
    %c0_i32_0 = arith.constant 0 : i32
    %c0_i32_1 = arith.constant 0 : i32
    return %c0_i32, %c0_i32_0 : i32, i32
  }
  func.func @transform_8(%arg0: i32, %arg1: memref<24xi32, #tpu.memory_space<smem>>, %arg2: memref<1xi32, #tpu.memory_space<smem>>) -> (i32, i32) {
    %get3A = arith.constant 0 : index
    %get3A_0 = memref.load %arg2[%get3A] : memref<1xi32, #tpu.memory_space<smem>>
    %sub3A = arith.constant 1 : i32
    %sub3A_1 = arith.subi %get3A_0, %sub3A : i32
    %min3A = arith.minsi %arg0, %sub3A_1 : i32
    %c0_i32 = arith.constant 0 : i32
    %c0_i32_2 = arith.constant 0 : i32
    return %min3A, %c0_i32 : i32, i32
  }
}

module attributes {stable_mosaic.version = 14 : i64} {
  func.func @_router_body(%arg0: memref<2048x768xf32, #tpu.memory_space<vmem>>, %arg1: memref<768x16xf32, #tpu.memory_space<vmem>>, %arg2: memref<2048x128xf32, #tpu.memory_space<vmem>>, %arg3: memref<2048xi32, #tpu.memory_space<vmem>>, %arg4: memref<24xi32, #tpu.memory_space<vmem>>, %arg5: memref<1xi32, #tpu.memory_space<vmem>>) attributes {dimension_semantics = [], scalar_prefetch = 0 : i64, scratch_operands = 0 : i64, tpu.core_type = #tpu.core_type<tc>} {
    %get3A = arith.constant 0 : index
    %get3A_0 = arith.constant 0 : index
    %get3A_1 = vector.load %arg0[%get3A, %get3A_0] : memref<2048x768xf32, #tpu.memory_space<vmem>>, vector<2048x768xf32>
    %get3A_2 = arith.constant 0 : index
    %get3A_3 = arith.constant 0 : index
    %get3A_4 = vector.load %arg1[%get3A_2, %get3A_3] : memref<768x16xf32, #tpu.memory_space<vmem>>, vector<768x16xf32>
    %dot_general3A = arith.constant dense<0.000000e+00> : vector<2048x16xf32>
    %dot_general3A_5 = tpu.matmul %get3A_1, %get3A_4, %dot_general3A {dimension_numbers = #tpu.dot_dimension_numbers<[1], [0], [0], [1], [0, 0, 1, 1], [], []>, transpose_lhs_hint = false} : vector<2048x768xf32>, vector<768x16xf32>, vector<2048x16xf32> -> vector<2048x16xf32>
    %reduce_max3A = arith.constant dense<0xFF800000> : vector<2048xf32>
    %reduce_max3A_6 = vector.multi_reduction <maximumf>, %dot_general3A_5, %reduce_max3A [1] : vector<2048x16xf32> to vector<2048xf32>
    %broadcast_in_dim3A = vector.shape_cast %reduce_max3A_6 : vector<2048xf32> to vector<2048x1xf32>
    %iota3A = tpu.iota {dimensions = array<i32: 1>} : vector<2048x16xi32>
    %eq3A = vector.broadcast %broadcast_in_dim3A : vector<2048x1xf32> to vector<2048x16xf32>
    %eq3A_7 = arith.cmpf oeq, %dot_general3A_5, %eq3A : vector<2048x16xf32>
    %jit3A = arith.constant 16 : i32
    %broadcast_in_dim3A_8 = vector.broadcast %jit3A : i32 to vector<2048x16xi32>
    %select_n3A = arith.select %eq3A_7, %iota3A, %broadcast_in_dim3A_8 : vector<2048x16xi1>, vector<2048x16xi32>
    %reduce_min3A = arith.constant dense<2147483647> : vector<2048xi32>
    %reduce_min3A_9 = vector.multi_reduction <minsi>, %select_n3A, %reduce_min3A [1] : vector<2048x16xi32> to vector<2048xi32>
    %broadcast_in_dim3A_10 = vector.shape_cast %reduce_min3A_9 : vector<2048xi32> to vector<2048x1xi32>
    %neg3A = arith.constant 0.000000e+00 : f32
    %neg3A_11 = vector.broadcast %neg3A : f32 to vector<2048x1xf32>
    %neg3A_12 = arith.subf %neg3A_11, %broadcast_in_dim3A : vector<2048x1xf32>
    %exp3A = math.exp %neg3A_12 : vector<2048x1xf32>
    %add3A = arith.constant 1.000000e+00 : f32
    %add3A_13 = vector.broadcast %add3A : f32 to vector<2048x1xf32>
    %add3A_14 = arith.addf %add3A_13, %exp3A : vector<2048x1xf32>
    %div3A = arith.constant 1.000000e+00 : f32
    %div3A_15 = vector.broadcast %div3A : f32 to vector<2048x1xf32>
    %div3A_16 = arith.divf %div3A_15, %add3A_14 : vector<2048x1xf32>
    %eq3A_17 = vector.broadcast %broadcast_in_dim3A_10 : vector<2048x1xi32> to vector<2048x16xi32>
    %eq3A_18 = arith.cmpi eq, %iota3A, %eq3A_17 : vector<2048x16xi32>
    %convert_element_type3A = arith.extui %eq3A_18 : vector<2048x16xi1> to vector<2048x16xi32>
    %broadcast_in_dim3A_19 = arith.constant 0 : i32
    %broadcast_in_dim3A_20 = vector.broadcast %broadcast_in_dim3A_19 : i32 to vector<1x16xi32>
    %slice3A = vector.extract_strided_slice %convert_element_type3A {offsets = [0, 0], sizes = [2047, 16], strides = [1, 1]} : vector<2048x16xi32> to vector<2047x16xi32>
    %concatenate3A = tpu.concatenate %broadcast_in_dim3A_20, %slice3A in 0 : vector<1x16xi32>, vector<2047x16xi32> -> vector<2048x16xi32>
    %add3A_21 = arith.addi %convert_element_type3A, %concatenate3A : vector<2048x16xi32>
    %broadcast_in_dim3A_22 = arith.constant 0 : i32
    %broadcast_in_dim3A_23 = vector.broadcast %broadcast_in_dim3A_22 : i32 to vector<2x16xi32>
    %slice3A_24 = vector.extract_strided_slice %add3A_21 {offsets = [0, 0], sizes = [2046, 16], strides = [1, 1]} : vector<2048x16xi32> to vector<2046x16xi32>
    %concatenate3A_25 = tpu.concatenate %broadcast_in_dim3A_23, %slice3A_24 in 0 : vector<2x16xi32>, vector<2046x16xi32> -> vector<2048x16xi32>
    %add3A_26 = arith.addi %add3A_21, %concatenate3A_25 : vector<2048x16xi32>
    %broadcast_in_dim3A_27 = arith.constant 0 : i32
    %broadcast_in_dim3A_28 = vector.broadcast %broadcast_in_dim3A_27 : i32 to vector<4x16xi32>
    %slice3A_29 = vector.extract_strided_slice %add3A_26 {offsets = [0, 0], sizes = [2044, 16], strides = [1, 1]} : vector<2048x16xi32> to vector<2044x16xi32>
    %concatenate3A_30 = tpu.concatenate %broadcast_in_dim3A_28, %slice3A_29 in 0 : vector<4x16xi32>, vector<2044x16xi32> -> vector<2048x16xi32>
    %add3A_31 = arith.addi %add3A_26, %concatenate3A_30 : vector<2048x16xi32>
    %broadcast_in_dim3A_32 = arith.constant 0 : i32
    %broadcast_in_dim3A_33 = vector.broadcast %broadcast_in_dim3A_32 : i32 to vector<8x16xi32>
    %slice3A_34 = vector.extract_strided_slice %add3A_31 {offsets = [0, 0], sizes = [2040, 16], strides = [1, 1]} : vector<2048x16xi32> to vector<2040x16xi32>
    %concatenate3A_35 = tpu.concatenate %broadcast_in_dim3A_33, %slice3A_34 in 0 : vector<8x16xi32>, vector<2040x16xi32> -> vector<2048x16xi32>
    %add3A_36 = arith.addi %add3A_31, %concatenate3A_35 : vector<2048x16xi32>
    %broadcast_in_dim3A_37 = arith.constant 0 : i32
    %broadcast_in_dim3A_38 = vector.broadcast %broadcast_in_dim3A_37 : i32 to vector<16x16xi32>
    %slice3A_39 = vector.extract_strided_slice %add3A_36 {offsets = [0, 0], sizes = [2032, 16], strides = [1, 1]} : vector<2048x16xi32> to vector<2032x16xi32>
    %concatenate3A_40 = tpu.concatenate %broadcast_in_dim3A_38, %slice3A_39 in 0 : vector<16x16xi32>, vector<2032x16xi32> -> vector<2048x16xi32>
    %add3A_41 = arith.addi %add3A_36, %concatenate3A_40 : vector<2048x16xi32>
    %broadcast_in_dim3A_42 = arith.constant 0 : i32
    %broadcast_in_dim3A_43 = vector.broadcast %broadcast_in_dim3A_42 : i32 to vector<32x16xi32>
    %slice3A_44 = vector.extract_strided_slice %add3A_41 {offsets = [0, 0], sizes = [2016, 16], strides = [1, 1]} : vector<2048x16xi32> to vector<2016x16xi32>
    %concatenate3A_45 = tpu.concatenate %broadcast_in_dim3A_43, %slice3A_44 in 0 : vector<32x16xi32>, vector<2016x16xi32> -> vector<2048x16xi32>
    %add3A_46 = arith.addi %add3A_41, %concatenate3A_45 : vector<2048x16xi32>
    %broadcast_in_dim3A_47 = arith.constant 0 : i32
    %broadcast_in_dim3A_48 = vector.broadcast %broadcast_in_dim3A_47 : i32 to vector<64x16xi32>
    %slice3A_49 = vector.extract_strided_slice %add3A_46 {offsets = [0, 0], sizes = [1984, 16], strides = [1, 1]} : vector<2048x16xi32> to vector<1984x16xi32>
    %concatenate3A_50 = tpu.concatenate %broadcast_in_dim3A_48, %slice3A_49 in 0 : vector<64x16xi32>, vector<1984x16xi32> -> vector<2048x16xi32>
    %add3A_51 = arith.addi %add3A_46, %concatenate3A_50 : vector<2048x16xi32>
    %broadcast_in_dim3A_52 = arith.constant 0 : i32
    %broadcast_in_dim3A_53 = vector.broadcast %broadcast_in_dim3A_52 : i32 to vector<128x16xi32>
    %slice3A_54 = vector.extract_strided_slice %add3A_51 {offsets = [0, 0], sizes = [1920, 16], strides = [1, 1]} : vector<2048x16xi32> to vector<1920x16xi32>
    %concatenate3A_55 = tpu.concatenate %broadcast_in_dim3A_53, %slice3A_54 in 0 : vector<128x16xi32>, vector<1920x16xi32> -> vector<2048x16xi32>
    %add3A_56 = arith.addi %add3A_51, %concatenate3A_55 : vector<2048x16xi32>
    %broadcast_in_dim3A_57 = arith.constant 0 : i32
    %broadcast_in_dim3A_58 = vector.broadcast %broadcast_in_dim3A_57 : i32 to vector<256x16xi32>
    %slice3A_59 = vector.extract_strided_slice %add3A_56 {offsets = [0, 0], sizes = [1792, 16], strides = [1, 1]} : vector<2048x16xi32> to vector<1792x16xi32>
    %concatenate3A_60 = tpu.concatenate %broadcast_in_dim3A_58, %slice3A_59 in 0 : vector<256x16xi32>, vector<1792x16xi32> -> vector<2048x16xi32>
    %add3A_61 = arith.addi %add3A_56, %concatenate3A_60 : vector<2048x16xi32>
    %broadcast_in_dim3A_62 = arith.constant 0 : i32
    %broadcast_in_dim3A_63 = vector.broadcast %broadcast_in_dim3A_62 : i32 to vector<512x16xi32>
    %slice3A_64 = vector.extract_strided_slice %add3A_61 {offsets = [0, 0], sizes = [1536, 16], strides = [1, 1]} : vector<2048x16xi32> to vector<1536x16xi32>
    %concatenate3A_65 = tpu.concatenate %broadcast_in_dim3A_63, %slice3A_64 in 0 : vector<512x16xi32>, vector<1536x16xi32> -> vector<2048x16xi32>
    %add3A_66 = arith.addi %add3A_61, %concatenate3A_65 : vector<2048x16xi32>
    %broadcast_in_dim3A_67 = arith.constant 0 : i32
    %broadcast_in_dim3A_68 = vector.broadcast %broadcast_in_dim3A_67 : i32 to vector<1024x16xi32>
    %slice3A_69 = vector.extract_strided_slice %add3A_66 {offsets = [0, 0], sizes = [1024, 16], strides = [1, 1]} : vector<2048x16xi32> to vector<1024x16xi32>
    %concatenate3A_70 = tpu.concatenate %broadcast_in_dim3A_68, %slice3A_69 in 0 : vector<1024x16xi32>, vector<1024x16xi32> -> vector<2048x16xi32>
    %add3A_71 = arith.addi %add3A_66, %concatenate3A_70 : vector<2048x16xi32>
    %sub3A = arith.subi %add3A_71, %convert_element_type3A : vector<2048x16xi32>
    %mul3A = arith.muli %sub3A, %convert_element_type3A : vector<2048x16xi32>
    %reduce_sum3A = arith.constant dense<0> : vector<2048xi32>
    %reduce_sum3A_72 = vector.multi_reduction <add>, %mul3A, %reduce_sum3A [1] : vector<2048x16xi32> to vector<2048xi32>
    %slice3A_73 = vector.extract_strided_slice %add3A_71 {offsets = [2047, 0], sizes = [1, 16], strides = [1, 1]} : vector<2048x16xi32> to vector<1x16xi32>
    %add3A_74 = arith.constant 255 : i32
    %add3A_75 = vector.broadcast %add3A_74 : i32 to vector<1x16xi32>
    %add3A_76 = arith.addi %slice3A_73, %add3A_75 : vector<1x16xi32>
    %jit3A_77 = arith.constant 256 : i32
    %div3A_78 = vector.broadcast %jit3A_77 : i32 to vector<1x16xi32>
    %div3A_79 = arith.divsi %add3A_76, %div3A_78 : vector<1x16xi32>
    %sign3A = arith.constant 0 : i32
    %sign3A_80 = vector.broadcast %sign3A : i32 to vector<1x16xi32>
    %sign3A_81 = arith.cmpi sgt, %add3A_76, %sign3A_80 : vector<1x16xi32>
    %sign3A_82 = arith.extui %sign3A_81 : vector<1x16xi1> to vector<1x16xi32>
    %sign3A_83 = arith.constant 0 : i32
    %sign3A_84 = vector.broadcast %sign3A_83 : i32 to vector<1x16xi32>
    %sign3A_85 = arith.cmpi slt, %add3A_76, %sign3A_84 : vector<1x16xi32>
    %sign3A_86 = arith.extui %sign3A_85 : vector<1x16xi1> to vector<1x16xi32>
    %sign3A_87 = arith.subi %sign3A_82, %sign3A_86 : vector<1x16xi32>
    %sign3A_88 = arith.constant 0 : i32
    %sign3A_89 = arith.cmpi sgt, %jit3A_77, %sign3A_88 : i32
    %sign3A_90 = arith.extui %sign3A_89 : i1 to i32
    %sign3A_91 = arith.constant 0 : i32
    %sign3A_92 = arith.cmpi slt, %jit3A_77, %sign3A_91 : i32
    %sign3A_93 = arith.extui %sign3A_92 : i1 to i32
    %sign3A_94 = arith.subi %sign3A_90, %sign3A_93 : i32
    %ne3A = vector.broadcast %sign3A_94 : i32 to vector<1x16xi32>
    %ne3A_95 = arith.cmpi ne, %sign3A_87, %ne3A : vector<1x16xi32>
    %rem3A = vector.broadcast %jit3A_77 : i32 to vector<1x16xi32>
    %rem3A_96 = arith.remsi %add3A_76, %rem3A : vector<1x16xi32>
    %ne3A_97 = arith.constant 0 : i32
    %ne3A_98 = vector.broadcast %ne3A_97 : i32 to vector<1x16xi32>
    %ne3A_99 = arith.cmpi ne, %rem3A_96, %ne3A_98 : vector<1x16xi32>
    %and3A = arith.andi %ne3A_95, %ne3A_99 : vector<1x16xi1>
    %sub3A_100 = arith.constant 1 : i32
    %sub3A_101 = vector.broadcast %sub3A_100 : i32 to vector<1x16xi32>
    %sub3A_102 = arith.subi %div3A_79, %sub3A_101 : vector<1x16xi32>
    %select_n3A_103 = arith.select %and3A, %sub3A_102, %div3A_79 : vector<1x16xi1>, vector<1x16xi32>
    %broadcast_in_dim3A_104 = arith.constant 0 : i32
    %broadcast_in_dim3A_105 = vector.broadcast %broadcast_in_dim3A_104 : i32 to vector<1x1xi32>
    %slice3A_106 = vector.extract_strided_slice %select_n3A_103 {offsets = [0, 0], sizes = [1, 15], strides = [1, 1]} : vector<1x16xi32> to vector<1x15xi32>
    %concatenate3A_107 = tpu.concatenate %broadcast_in_dim3A_105, %slice3A_106 in 1 : vector<1x1xi32>, vector<1x15xi32> -> vector<1x16xi32>
    %add3A_108 = arith.addi %select_n3A_103, %concatenate3A_107 : vector<1x16xi32>
    %broadcast_in_dim3A_109 = arith.constant 0 : i32
    %broadcast_in_dim3A_110 = vector.broadcast %broadcast_in_dim3A_109 : i32 to vector<1x2xi32>
    %slice3A_111 = vector.extract_strided_slice %add3A_108 {offsets = [0, 0], sizes = [1, 14], strides = [1, 1]} : vector<1x16xi32> to vector<1x14xi32>
    %concatenate3A_112 = tpu.concatenate %broadcast_in_dim3A_110, %slice3A_111 in 1 : vector<1x2xi32>, vector<1x14xi32> -> vector<1x16xi32>
    %add3A_113 = arith.addi %add3A_108, %concatenate3A_112 : vector<1x16xi32>
    %broadcast_in_dim3A_114 = arith.constant 0 : i32
    %broadcast_in_dim3A_115 = vector.broadcast %broadcast_in_dim3A_114 : i32 to vector<1x4xi32>
    %slice3A_116 = vector.extract_strided_slice %add3A_113 {offsets = [0, 0], sizes = [1, 12], strides = [1, 1]} : vector<1x16xi32> to vector<1x12xi32>
    %concatenate3A_117 = tpu.concatenate %broadcast_in_dim3A_115, %slice3A_116 in 1 : vector<1x4xi32>, vector<1x12xi32> -> vector<1x16xi32>
    %add3A_118 = arith.addi %add3A_113, %concatenate3A_117 : vector<1x16xi32>
    %broadcast_in_dim3A_119 = arith.constant 0 : i32
    %broadcast_in_dim3A_120 = vector.broadcast %broadcast_in_dim3A_119 : i32 to vector<1x8xi32>
    %slice3A_121 = vector.extract_strided_slice %add3A_118 {offsets = [0, 0], sizes = [1, 8], strides = [1, 1]} : vector<1x16xi32> to vector<1x8xi32>
    %concatenate3A_122 = tpu.concatenate %broadcast_in_dim3A_120, %slice3A_121 in 1 : vector<1x8xi32>, vector<1x8xi32> -> vector<1x16xi32>
    %add3A_123 = arith.addi %add3A_118, %concatenate3A_122 : vector<1x16xi32>
    %sub3A_124 = arith.subi %add3A_123, %select_n3A_103 : vector<1x16xi32>
    %mul3A_125 = arith.constant 256 : i32
    %mul3A_126 = vector.broadcast %mul3A_125 : i32 to vector<1x16xi32>
    %mul3A_127 = arith.muli %sub3A_124, %mul3A_126 : vector<1x16xi32>
    %mul3A_128 = vector.broadcast %mul3A_127 : vector<1x16xi32> to vector<2048x16xi32>
    %mul3A_129 = arith.muli %convert_element_type3A, %mul3A_128 : vector<2048x16xi32>
    %reduce_sum3A_130 = arith.constant dense<0> : vector<2048xi32>
    %reduce_sum3A_131 = vector.multi_reduction <add>, %mul3A_129, %reduce_sum3A_130 [1] : vector<2048x16xi32> to vector<2048xi32>
    %add3A_132 = arith.addi %reduce_sum3A_131, %reduce_sum3A_72 : vector<2048xi32>
    %swap3A = arith.constant 0 : index
    %swap3A_133 = vector.load %arg3[%swap3A] : memref<2048xi32, #tpu.memory_space<vmem>>, vector<2048xi32>
    tpu.vector_store %arg3[%swap3A], %add3A_132 {strides = array<i32>} : memref<2048xi32, #tpu.memory_space<vmem>>, vector<2048xi32>,
    %broadcast_in_dim3A_134 = vector.shape_cast %div3A_16 : vector<2048x1xf32> to vector<2048x1xf32>
    %broadcast_in_dim3A_135 = vector.broadcast %broadcast_in_dim3A_134 : vector<2048x1xf32> to vector<2048x128xf32>
    %swap3A_136 = arith.constant 0 : index
    %swap3A_137 = arith.constant 0 : index
    %swap3A_138 = vector.load %arg2[%swap3A_136, %swap3A_137] : memref<2048x128xf32, #tpu.memory_space<vmem>>, vector<2048x128xf32>
    tpu.vector_store %arg2[%swap3A_136, %swap3A_137], %broadcast_in_dim3A_135 {strides = array<i32>} : memref<2048x128xf32, #tpu.memory_space<vmem>>, vector<2048x128xf32>,
    %reduce_sum3A_139 = arith.constant dense<0> : vector<1xi32>
    %reduce_sum3A_140 = vector.multi_reduction <add>, %select_n3A_103, %reduce_sum3A_139 [1] : vector<1x16xi32> to vector<1xi32>
    %swap3A_141 = arith.constant 0 : index
    %swap3A_142 = vector.load %arg5[%swap3A_141] : memref<1xi32, #tpu.memory_space<vmem>>, vector<1xi32>
    tpu.vector_store %arg5[%swap3A_141], %reduce_sum3A_140 {strides = array<i32>} : memref<1xi32, #tpu.memory_space<vmem>>, vector<1xi32>,
    %iota3A_143 = tpu.iota {dimensions = array<i32: 0>} : vector<24x16xi32>
    %broadcast_in_dim3A_144 = vector.shape_cast %reduce_sum3A_140 : vector<1xi32> to vector<1x1xi32>
    %broadcast_in_dim3A_145 = vector.shape_cast %broadcast_in_dim3A_144 : vector<1x1xi32> to vector<1x1xi32>
    %broadcast_in_dim3A_146 = vector.broadcast %broadcast_in_dim3A_145 : vector<1x1xi32> to vector<24x16xi32>
    %sub3A_147 = arith.constant 1 : i32
    %sub3A_148 = vector.broadcast %sub3A_147 : i32 to vector<24x16xi32>
    %sub3A_149 = arith.subi %broadcast_in_dim3A_146, %sub3A_148 : vector<24x16xi32>
    %min3A = arith.minsi %iota3A_143, %sub3A_149 : vector<24x16xi32>
    %broadcast_in_dim3A_150 = vector.shape_cast %sub3A_124 : vector<1x16xi32> to vector<1x16xi32>
    %broadcast_in_dim3A_151 = vector.broadcast %broadcast_in_dim3A_150 : vector<1x16xi32> to vector<24x16xi32>
    %le3A = arith.cmpi sle, %broadcast_in_dim3A_151, %min3A : vector<24x16xi32>
    %convert_element_type3A_152 = arith.extui %le3A : vector<24x16xi1> to vector<24x16xi32>
    %reduce_sum3A_153 = arith.constant dense<0> : vector<24xi32>
    %reduce_sum3A_154 = vector.multi_reduction <add>, %convert_element_type3A_152, %reduce_sum3A_153 [1] : vector<24x16xi32> to vector<24xi32>
    %sub3A_155 = arith.constant 1 : i32
    %sub3A_156 = vector.broadcast %sub3A_155 : i32 to vector<24xi32>
    %sub3A_157 = arith.subi %reduce_sum3A_154, %sub3A_156 : vector<24xi32>
    %jit3A_158 = arith.constant 0 : i32
    %jit3A_159 = arith.constant 15 : i32
    %max3A = vector.broadcast %jit3A_158 : i32 to vector<24xi32>
    %max3A_160 = arith.maxsi %max3A, %sub3A_157 : vector<24xi32>
    %min3A_161 = vector.broadcast %jit3A_159 : i32 to vector<24xi32>
    %min3A_162 = arith.minsi %min3A_161, %max3A_160 : vector<24xi32>
    %swap3A_163 = arith.constant 0 : index
    %swap3A_164 = vector.load %arg4[%swap3A_163] : memref<24xi32, #tpu.memory_space<vmem>>, vector<24xi32>
    tpu.vector_store %arg4[%swap3A_163], %min3A_162 {strides = array<i32>} : memref<24xi32, #tpu.memory_space<vmem>>, vector<24xi32>,
    return
  }
}

</mosaic_0001>

<sc_bundles>
// kernel: kernel.6.cloned.1.call-start
scs
__scs_entry_jumppad:
0x0: {  	(pc) =	sbr.rel $0x88, $3  }
0x1: {  	(tag) =	ssettag $0x0;
	lr =	simm.s32 $0x1  }
0x2: {  	[smem:$0x3F99] =	sst lr;
	_ =	strace $0xD0000000  }
0x3: {  	_ = 	snop  }
0x4: {  	_ = 	snop  }
0x5: {  	_ = 	snop  }
0x6: {  	_ = 	snop  }
0x7: {  	_ = 	snop  }
__scs_overlays_trampoline_lowered:
0x8: {  	[smem:$0x3FA8] =	sst s0  }
0x9: {  	[smem:$0x3FA9] =	sst s1  }
0xa: {  	[smem:$0x3FAA] =	sst s2  }
0xb: {  	[smem:$0x3FAB] =	sst s3  }
0xc: {  	[smem:$0x3FAC] =	sst s4  }
0xd: {  	[smem:$0x3FAD] =	sst s5  }
0xe: {  	[smem:$0x3FAE] =	sst s6  }
0xf: {  	[smem:$0x3FAF] =	sst s7  }
0x10: {  	[smem:$0x3FB0] =	sst s8  }
0x11: {  	[smem:$0x3FB1] =	sst s9;
	s0 =	simm.s32 @!p0 $0x0  }
0x12: {  	s1 =	sld [smem:$0x3F97];
	s0 =	simm.s32 @p0 $0x1  }
0x13: {  	[smem:$0x3FB2] =	sst s0;
	s0 =	simm.s32 @!p1 $0x0  }
0x14: {  	s2 =	sld [smem:$0x3F96];
	s0 =	simm.s32 @p1 $0x1  }
0x15: {  	[smem:$0x3FB3] =	sst s0;
	s0 =	simm.s32 @!p2 $0x0  }
0x16: {  	s3 =	sld [smem:$0x3FDB];
	s0 =	simm.s32 @p2 $0x1  }
0x17: {  	s4 =	simm.s32 $0x1BF5;
	[smem:$0x3FB5] =	sst s0  }
0x18: {  	s0 =	sld [smem:$0x3F98];
	_ =	swait.ge [sflag:s4], $0x0  }
0x19: {  	s7 =	sld [smem:$0x3F99]  }
0x1a: {  	s8 =	sadd.s32 $0xFFFFE003, lr  }
0x1b: {  	s9 =	sadd.s32 $0xFFFFFEF7, lr;
	s5 =	simm.s32 $0xFFFFFFFF;
	p2 =	slt.u32 s8, $0xFFFFF086  }
0x1c: {  	p1 =	slt.u32 s9, $0xF7A;
	s5 =	simm.s32 @!p2 $0x0  }
0x1d: {  	s5 =	simm.s32 @p1 $0x1;
	p0 =	seq.s32 s7, s2  }
0x1e: {  	s7 =	smul.u32 @!p0 $0xF7A, s2;
	p2 =	seq.s32 @!p0 s5, $0x0  }
0x1f: {  	s9 =	smul.u32 $0xF7A, s1;
	s8 =	simm.s32 @!p0 $0x1BF5;
	p2 =	por !p2, p0  }
0x20: {  	[sflag:s8] =	ssyncset.s32 @!p0 $0xFFFFF086;
	s6 =	sadd.s32 @!p0 s3, s7;
	s7 =	simm.s32 @!p0 $0x108  }
0x21: {  	s3 =	sadd.s32 s3, s9;
	s6 =	sadd.s32 @!p0 $0x88, s6;
	s7 =	simm.s32 @p2 $0x1082  }
0x22: {  	[simem:s7], [sflag:s8] =	dma.local @!p0 [hbm:s6], $0xF7A  }
0x23: {  	s9 =	sor.u32 $0xD0000000, s2;
	s6 =	simm.s32 $0x108;
	_ =	swait.ge @!p0 [sflag:s8], $0x0  }
0x24: {  	s3 =	sadd.s32 $0x88, s3;
	s6 =	simm.s32 @!p1 $0x1082;
	[sflag:s4] =	ssyncset.s32 $0xFFFFF086  }
0x25: {  	[simem:s6], [sflag:s4] =	dma.local [hbm:s3], $0xF7A  }
0x26: {  	[smem:$0x3F99] =	sst s1;
	(tag) =	ssettag s2;
	_ =	strace s9  }
0x27: {  	s1 =	sld [smem:$0x3FA9]  }
0x28: {  	s2 =	sld [smem:$0x3FAA]  }
0x29: {  	s4 =	sld [smem:$0x3FAC]  }
0x2a: {  	p0 =	seq.s32 s5, $0x0;
	s5 =	sld [smem:$0x3FAD]  }
0x2b: {  	s6 =	sld [smem:$0x3FAE]  }
0x2c: {  	s7 =	sld [smem:$0x3FAF]  }
0x2d: {  	s3 =	simm.s32 $0x108;
	s8 =	sld [smem:$0x3FB0]  }
0x2e: {  	s3 =	simm.s32 @!p0 $0x1082;
	s9 =	sld [smem:$0x3FB1]  }
0x2f: {  	lr =	sadd.s32 s0, s3;
	s0 =	sld [smem:$0x3FA8]  }
0x30: {  	s3 =	sld [smem:$0x3FAB]  }
0x31: {  	[smem:$0x3FB4] =	sst s10  }
0x32: {  	s10 =	sld [smem:$0x3FB2];
	_ =	sdelay $0x3  }
0x33: {  	p0 =	seq.s32 s10, $0x1;
	s10 =	sld [smem:$0x3FB4];
	_ =	sdelay $0x3  }
0x34: {  	[smem:$0x3FB4] =	sst s10  }
0x35: {  	s10 =	sld [smem:$0x3FB3];
	_ =	sdelay $0x3  }
0x36: {  	p1 =	seq.s32 s10, $0x1;
	s10 =	sld [smem:$0x3FB4];
	_ =	sdelay $0x3  }
0x37: {  	[smem:$0x3FB4] =	sst s10  }
0x38: {  	s10 =	sld [smem:$0x3FB5]  }
0x39: {  	_ = 	snop;
	(pc) =	sbr.ind lr, $3  }
0x3a: {  	_ = 	snop  }
0x3b: {  	_ = 	snop  }
0x3c: {  	p2 =	seq.s32 s10, $0x1;
	s10 =	sld [smem:$0x3FB4]  }
0x3d: {  	_ =	shalt  }
0x3e: {  	_ =	shalt  }
0x3f: {  	_ =	shalt  }
0x40: {  	_ =	shalt  }
0x41: {  	_ =	shalt  }
0x42: {  	_ =	shalt  }
0x43: {  	_ =	shalt  }
0x44: {  	_ =	shalt  }
0x45: {  	_ =	shalt  }
0x46: {  	_ =	shalt  }
0x47: {  	_ =	shalt  }
0x48: {  	_ =	shalt  }
0x49: {  	_ =	shalt  }
0x4a: {  	_ =	shalt  }
0x4b: {  	_ =	shalt  }
0x4c: {  	_ =	shalt  }
0x4d: {  	_ =	shalt  }
0x4e: {  	_ =	shalt  }
0x4f: {  	_ =	shalt  }
0x50: {  	_ =	shalt  }
0x51: {  	_ =	shalt  }
0x52: {  	_ =	shalt  }
0x53: {  	_ =	shalt  }
0x54: {  	_ =	shalt  }
0x55: {  	_ =	shalt  }
0x56: {  	_ =	shalt  }
0x57: {  	_ =	shalt  }
0x58: {  	_ =	shalt  }
0x59: {  	_ =	shalt  }
0x5a: {  	_ =	shalt  }
0x5b: {  	_ =	shalt  }
0x5c: {  	_ =	shalt  }
0x5d: {  	_ =	shalt  }
0x5e: {  	_ =	shalt  }
0x5f: {  	_ =	shalt  }
0x60: {  	_ =	shalt  }
0x61: {  	_ =	shalt  }
0x62: {  	_ =	shalt  }
0x63: {  	_ =	shalt  }
0x64: {  	_ =	shalt  }
0x65: {  	_ =	shalt  }
0x66: {  	_ =	shalt  }
0x67: {  	_ =	shalt  }
0x68: {  	_ =	shalt  }
0x69: {  	_ =	shalt  }
0x6a: {  	_ =	shalt  }
0x6b: {  	_ =	shalt  }
0x6c: {  	_ =	shalt  }
0x6d: {  	_ =	shalt  }
0x6e: {  	_ =	shalt  }
0x6f: {  	_ =	shalt  }
0x70: {  	_ =	shalt  }
0x71: {  	_ =	shalt  }
0x72: {  	_ =	shalt  }
0x73: {  	_ =	shalt  }
0x74: {  	_ =	shalt  }
0x75: {  	_ =	shalt  }
0x76: {  	_ =	shalt  }
0x77: {  	_ =	shalt  }
0x78: {  	_ =	shalt  }
0x79: {  	_ =	shalt  }
0x7a: {  	_ =	shalt  }
0x7b: {  	_ =	shalt  }
0x7c: {  	_ =	shalt  }
0x7d: {  	_ =	shalt  }
0x7e: {  	_ =	shalt  }
0x7f: {  	_ =	shalt  }
0x80: {  	_ =	shalt  }
0x81: {  	_ =	shalt  }
0x82: {  	_ =	shalt  }
0x83: {  	_ =	shalt  }
0x84: {  	_ =	shalt  }
0x85: {  	_ =	shalt  }
0x86: {  	_ =	shalt  }
0x87: {  	_ =	shalt  }
.Lfunc_end0:
.L_simem_size_0:
called_computation_lowered:
.L_overlay_start_0:
0x88: {  	s2 =	sld [smem:$0x3FD9]  }
0x89: {  	s3 =	sld [smem:$0x3FFE];
	_ =	sdelay $0x1  }
0x8a: {  	s1 =	srdreg.scid  }
0x8b: {  	s0 =	sand.u32 $0x1, s1  }
0x8c: {  	s17 =	sshll.u32 s0, $0xA;
	s2 =	sadd.s32 s3, s2  }
0x8d: {  	s2 =	sadd.s32 s2, s17  }
0x8e: {  	[smem:$0x3FC0] =	sst s2  }
0x8f: {  	_ = 	snop  }
0x90: {  	s2 =	sld [smem:$0x3FC9]  }
0x91: {  	s18 =	sld [smem:$0x3FD0];
	(tm) =	ssettm $0x1  }
0x92: {  	s4 =	sld [smem:$0x3FFB];
	_ =	sdelay $0x3  }
0x93: {  	_ =	strace s4  }
0x94: {  	s4 =	sld [smem:$0x3FFC];
	_ =	sdelay $0x3  }
0x95: {  	_ =	strace s4  }
0x96: {  	s4 =	sld [smem:$0x3FFD];
	_ =	sdelay $0x3  }
0x97: {  	_ =	strace s4  }
0x98: {  	_ =	strace $0x8FFFFFFF  }
0x99: {  	s19 =	sld [smem:$0x3FDB];
	_ =	sdelay $0x1  }
0x9a: {  	s5 =	simm.s32 $_scs_section_size  }
0x9b: {  	s6 =	simm.s32 $_size__tile_overlayer_lowered;
	s7 =	simm.s32 $_tile_overlayer_lowered  }
0x9c: {  	s22 =	simm.s32 $0x1BFF;
	s21 =	sshll.u32 s7, $0x1;
	s4 =	sadd.s32 s5, s19  }
0x9d: {  	s8 =	simm.s32 $0x0;
	s20 =	sshll.u32 s6, $0x1;
	s6 =	sadd.s32 s21, s4  }
0x9e: {  	[timem:s8], [sflag:s22] =	dma.local [hbm:s6], s20  }
0x9f: {  	_ =	swait.ge [sflag:s22], s20  }
0xa0: {  	s5 =	ssub.s32 $0x0, s20;
	[sflag:s22] =	ssyncset.done $0x0  }
0xa1: {  	[sflag:s22] =	ssyncadd.s32 s5;
	_ =	sdelay $0x1  }
0xa2: {  	s23 =	simm.s32 $0x1B8B  }
0xa3: {  	_ =	swait.ge [sflag:s23], $0x1  }
0xa4: {  	[sflag:s23] =	ssyncset.done $0x0  }
0xa5: {  	s25 =	simm.s32 $0x1B8E;
	s24 =	sld [smem:$0x3FFE];
	[sflag:s23] =	ssyncadd.s32 $0xFFFFFFFF  }
0xa6: {  	s26 =	simm.s32 $execute0_lowered;
	[smem:$0x3FD2] =	sst s25  }
0xa7: {  	s6 =	sshll.u32 s26, $0x1;
	_ =	strace $0x80000046;
	[dreg:$0x1] =	wrdreg $0xFFFFFFFF  }
0xa8: {  	s28 =	simm.s32 $_size_execute0_lowered;
	s4 =	sadd.s32 s4, s6;
	[dreg:$0x0] =	wrdreg $0x0  }
0xa9: {  	s6 =	sshll.u32 s28, $0x1;
	[dreg:$0x2] =	wrdreg s4  }
0xaa: {  	[dreg:$0x3] =	wrdreg s6  }
0xab: {  	[dreg:$0x4] =	wrdreg $0xC0  }
0xac: {  	_ =	task [dreg:s8], $0x5FFFF  }
0xad: {  	[dreg:$0x1] =	wrdreg $0xFFFFFFFF  }
0xae: {  	[dreg:$0x0] =	wrdreg $0x60  }
0xaf: {  	[dreg:$0x2] =	wrdreg s2  }
0xb0: {  	[dreg:$0x3] =	wrdreg s24  }
0xb1: {  	[dreg:$0x4] =	wrdreg s18  }
0xb2: {  	[dreg:$0x5] =	wrdreg $0x9  }
0xb3: {  	_ =	task.clear_ibuf [dreg:s8], $0x6FFFF;
	_ =	strace $0x90000046  }
0xb4: {  	s29 =	simm.s32 $0x9;
	_ =	strace $0x80000048  }
0xb5: {  	_ =	swait.ge [sflag:s29], $0x1  }
0xb6: {  	[sflag:s29] =	ssyncadd.s32 $0xFFFFFFFF  }
0xb7: {  	_ =	strace $0x90000048  }
0xb8: {  	_ =	sfence  }
0xb9: {  	s30 =	sld [smem:$0x0];
	_ =	sdelay $0x2  }
0xba: {  	s31 =	sshll.u32 s1, $0xD;
	s1 =	sshrl.u32 s1, $0x2  }
0xbb: {  	s3 =	sand.u32 $0x4000, s31;
	s1 =	sadd.s32 s1, s30  }
0xbc: {  	s0 =	sor.u32 s3, s0;
	s1 =	sshll.u32 s1, $0x11  }
0xbd: {  	s0 =	sor.u32 s1, s0  }
0xbe: {  	s0 =	sadd.s32 $0x8F2B, s0  }
0xbf: {  	[sflag:s0] =	ssyncadd.remote.s32 $0x1  }
0xc0: {  	_ =	sfence.sel $0xFFFF  }
0xc1: {  	[dreg:$0x0] =	wrdreg $0xFFFFFFFF;
	(pc) =	sbr.abs _section_cstart, $3  }
0xc2: {  	[dreg:$0x1] =	wrdreg $0xFFFFFFFF  }
0xc3: {  	_ =	task.clear_ibuf [dreg:s8], $0x2FFFF;
	_ =	strace $0x9FFFFFFF  }
0xc4: {  	(tm) =	ssettm $0x7FFFFFFF  }
0xc5: {  	_ =	shalt  }
tec
execute0_lowered:
.L_overlay_start_1:
0x0: {  	(tag) =	ssettag $0x1  }
0x1: {  	s0 =	rddreg [dreg:$0x0]  }
0x2: {  	s6 =	rddreg [dreg:$0x1]  }
0x3: {  	s2 =	rddreg [dreg:$0x2]  }
0x4: {  	s3 =	srdreg.scid;
	s1 =	stileid.u32;
	s19 =	simm.s32 $0x900  }
0x5: {  	s20 =	simm.s32 $0x1100;
	s21 =	simm.s32 $0x1900;
	s22 =	simm.s32 $0x2100  }
0x6: {  	s23 =	simm.s32 $0x2900;
	s5 =	sand.u32 $0x1, s3;
	s3 =	simm.s32 $0x0  }
0x7: {  	s24 =	simm.s32 $0x3100;
	s25 =	simm.s32 $0x3900;
	[smem:$0x7FF] =	sst s3  }
0x8: {  	s26 =	simm.s32 $0x4100;
	_ =	strace $0x80000047;
	[dreg:$0x9] =	wrdreg s19  }
0x9: {  	s12 =	simm.s32 $0x1;
	s13 =	simm.s32 $0x2;
	[dreg:$0xa] =	wrdreg s20  }
0xa: {  	s28 =	simm.s32 $0xB900;
	s29 =	simm.s32 $0x20;
	[dreg:$0xb] =	wrdreg s21  }
0xb: {  	s30 =	simm.s32 $0xD100;
	s31 =	simm.s32 $0x3;
	[dreg:$0xc] =	wrdreg s22  }
0xc: {  	s4 =	sshll.u32 s1, $0x7;
	s8 =	sadd.s32 $0x9E00, s6;
	[dreg:$0xd] =	wrdreg s23  }
0xd: {  	s7 =	sshll.u32 s5, $0x6;
	s5 =	ssub.s32 $0x2, s5;
	[dreg:$0xe] =	wrdreg s24  }
0xe: {  	s4 =	sor.u32 s7, s4;
	s16 =	sshrl.u32 s5, $0x1;
	[dreg:$0xf] =	wrdreg s25  }
0xf: {  	[dreg:$0x10] =	wrdreg s26;
	s19 =	simm.s32 $0x7900;
	s20 =	simm.s32 $0x8100  }
0x10: {  	s21 =	simm.s32 $0x8900;
	s22 =	simm.s32 $0x9100;
	s23 =	simm.s32 $0x9900  }
0x11: {  	s24 =	simm.s32 $0xA100;
	s25 =	simm.s32 $0xA900;
	s26 =	simm.s32 $0xB100  }
0x12: {  	s7 =	sshll.u32 s4, $0x4;
	s4 =	sshrl.u32 s4, $0x3;
	s18 =	ssub.s32 s5, s16  }
0x13: {  	s5 =	sadd.s32 $0xA100, s6;
	s16 =	simm.s32 $0x5900;
	s7 =	sadd.s32 s7, s6  }
0x14: {  	s9 =	sadd.s32 s8, s4;
	s10 =	sor.u32 $0x4, s4;
	s11 =	smul.u32 $0x300, s4  }
0x15: {  	s4 =	sadd.s32 $0xA000, s6;
	s6 =	sadd.s32 $0xA200, s6;
	[dreg:$0x4] =	wrdreg s9  }
0x16: {  	s8 =	sadd.s32 s8, s10;
	s14 =	smul.u32 $0x300, s10;
	s17 =	sadd.s32 $0x1E00, s7  }
0x17: {  	s7 =	smax.u32 s18, $0x1;
	s9 =	simm.s32 $0x100;
	s10 =	simm.s32 $0x6100  }
0x18: {  	s18 =	simm.s32 $0x7100;
	[dreg:$0x5] =	wrdreg s8;
	s15 =	sadd.s32 s0, s11  }
0x19: {  	v2 =	vlaneseq.u32;
	[dreg:$0x8] =	wrdreg s17;
	s8 =	simm.s32 $0x80;
	s11 =	simm.s32 $0xC100  }
0x1a: {  	vm0 =	vmmov $0xffff;
	v1 =	vshrl.u32 v2, $0x3;
	s17 =	simm.s32 $0x6900;
	[dreg:$0x6] =	wrdreg s15;
	s0 =	sadd.s32 s0, s14  }
0x1b: {  	v0 =	vand.u32 $0x7, v2;
	v2 =	vor.u32 $0x8, v2;
	v1 =	vmul.u32 $0x8, v1;
	s15 =	simm.s32 $0x5100;
	[dreg:$0x7] =	wrdreg s0;
	s0 =	simm.s32 $0x4  }
.LBB2_1:
0x1c: {  	s1 =	rddreg [dreg:$0x4]  }
0x1d: {  	[tilespmem:s3], [sflag:$0x1] =	stream.linear.gather [hbm4b:s1+s3], $0x20, $0x38;
	[tilespmem:$0xE100] =	vst v63  }
0x1e: {  	s14 =	rddreg [dreg:$0x5]  }
0x1f: {  	[tilespmem:s8], [sflag:$0x1] =	stream.linear.gather [hbm4b:s14+s3], $0x20, $0x38;
	[tilespmem:$0xE100] =	vst v63  }
0x20: {  	s1 =	rddreg [dreg:$0x6]  }
0x21: {  	[tilespmem:s9], [sflag:$0x2] =	stream.linear.gather [hbm4b:s1+s3], $0x6000, $0x38;
	[tilespmem:$0xE100] =	vst v63  }
0x22: {  	s14 =	rddreg [dreg:$0x7]  }
0x23: {  	[tilespmem:s10], [sflag:$0x2] =	stream.linear.gather [hbm4b:s14+s3], $0x6000, $0x38;
	[tilespmem:$0xE100] =	vst v63  }
0x24: {  	s1 =	rddreg [dreg:$0x8]  }
0x25: {  	[tilespmem:s11], [sflag:$0x1] =	stream.linear.gather [hbm4b:s1+s3], $0x2000, $0x38;
	[tilespmem:$0xE100] =	vst v63  }
0x26: {  	_ =	swait.ge [sflag:s12], $0x20  }
0x27: {  	[sflag:s12] =	ssyncset.done $0x0  }
0x28: {  	[sflag:s12] =	ssyncadd.s32 $0xFFFFFFE0  }
0x29: {  	_ =	swait.ge [sflag:s12], $0x20  }
0x2a: {  	[sflag:s12] =	ssyncset.done $0x0  }
0x2b: {  	[sflag:s12] =	ssyncadd.s32 $0xFFFFFFE0  }
0x2c: {  	_ =	swait.ge [sflag:s13], $0x6000  }
0x2d: {  	[sflag:s13] =	ssyncset.done $0x0  }
0x2e: {  	[sflag:s13] =	ssyncadd.s32 $0xFFFFA000  }
0x2f: {  	v3 =	vld [tilespmem:$0x0];
	_ =	sdelay $0x4  }
0x30: {  	v4 =	vshrl.u32 v3, $0x3  }
0x31: {  	v4 =	vmul.u32 $0x30, v4  }
0x32: {  	v3 =	vand.u32 $0x7, v3  }
0x33: {  	v3 =	vor.u32 v3, v4  }
0x34: {  	v4 =	vperm.xlane v3, v0;
	_ =	sdelay $0x1  }
0x35: {  	v4 =	vadd.s32 v1, v4;
	_ =	sdelay $0x3  }
0x36: {  	v3 =	vperm.xlane v3, v2  }
0x37: {  	[hbm4b:s4+s3] =	stream.indirect_vreg.scatter [tilespmem:s9], [sflag:$0x3], $0x80, v4, vm0, $0xb8;
	[tilespmem:$0xE100] =	vst v63  }
0x38: {  	s1 =	rddreg [dreg:$0x9];
	v3 =	vadd.s32 v1, v3  }
0x39: {  	[hbm4b:s5+s3] =	stream.indirect_vreg.scatter [tilespmem:s1], [sflag:$0x3], $0x80, v4, vm0, $0xb8;
	[tilespmem:$0xE100] =	vst v63  }
0x3a: {  	s14 =	rddreg [dreg:$0xa]  }
0x3b: {  	[hbm4b:s6+s3] =	stream.indirect_vreg.scatter [tilespmem:s14], [sflag:$0x3], $0x80, v4, vm0, $0xb8;
	[tilespmem:$0xE100] =	vst v63  }
0x3c: {  	s1 =	rddreg [dreg:$0xb]  }
0x3d: {  	[hbm4b:s4+s3] =	stream.indirect_vreg.scatter [tilespmem:s1], [sflag:$0x3], $0x80, v3, vm0, $0xb8;
	[tilespmem:$0xE100] =	vst v63  }
0x3e: {  	s14 =	rddreg [dreg:$0xc]  }
0x3f: {  	[hbm4b:s5+s3] =	stream.indirect_vreg.scatter [tilespmem:s14], [sflag:$0x3], $0x80, v3, vm0, $0xb8;
	[tilespmem:$0xE100] =	vst v63  }
0x40: {  	s1 =	rddreg [dreg:$0xd]  }
0x41: {  	[hbm4b:s6+s3] =	stream.indirect_vreg.scatter [tilespmem:s1], [sflag:$0x3], $0x80, v3, vm0, $0xb8;
	[tilespmem:$0xE100] =	vst v63  }
0x42: {  	v3 =	vld [tilespmem:$0x10];
	_ =	sdelay $0x4  }
0x43: {  	v61 =	vshrl.u32 v3, $0x3  }
0x44: {  	v4 =	vmul.u32 $0x30, v61  }
0x45: {  	v3 =	vand.u32 $0x7, v3  }
0x46: {  	v3 =	vor.u32 v3, v4  }
0x47: {  	v4 =	vperm.xlane v3, v0;
	_ =	sdelay $0x1  }
0x48: {  	v4 =	vadd.s32 v1, v4;
	_ =	sdelay $0x3  }
0x49: {  	s1 =	rddreg [dreg:$0xe];
	v3 =	vperm.xlane v3, v2  }
0x4a: {  	[hbm4b:s4+s3] =	stream.indirect_vreg.scatter [tilespmem:s1], [sflag:$0x3], $0x80, v4, vm0, $0xb8;
	[tilespmem:$0xE100] =	vst v63  }
0x4b: {  	s14 =	rddreg [dreg:$0xf];
	v3 =	vadd.s32 v1, v3  }
0x4c: {  	[hbm4b:s5+s3] =	stream.indirect_vreg.scatter [tilespmem:s14], [sflag:$0x3], $0x80, v4, vm0, $0xb8;
	[tilespmem:$0xE100] =	vst v63  }
0x4d: {  	s1 =	rddreg [dreg:$0x10]  }
0x4e: {  	[hbm4b:s6+s3] =	stream.indirect_vreg.scatter [tilespmem:s1], [sflag:$0x3], $0x80, v4, vm0, $0xb8;
	[tilespmem:$0xE100] =	vst v63  }
0x4f: {  	s14 =	simm.s32 $0x4900  }
0x50: {  	[hbm4b:s4+s3] =	stream.indirect_vreg.scatter [tilespmem:s14], [sflag:$0x3], $0x80, v3, vm0, $0xb8;
	[tilespmem:$0xE100] =	vst v63  }
0x51: {  	_ = 	snop  }
0x52: {  	[hbm4b:s5+s3] =	stream.indirect_vreg.scatter [tilespmem:s15], [sflag:$0x3], $0x80, v3, vm0, $0xb8;
	[tilespmem:$0xE100] =	vst v63  }
0x53: {  	_ = 	snop  }
0x54: {  	[hbm4b:s6+s3] =	stream.indirect_vreg.scatter [tilespmem:s16], [sflag:$0x3], $0x80, v3, vm0, $0xb8;
	[tilespmem:$0xE100] =	vst v63  }
0x55: {  	_ =	swait.ge [sflag:s13], $0x6000  }
0x56: {  	[sflag:s13] =	ssyncset.done $0x0  }
0x57: {  	[sflag:s13] =	ssyncadd.s32 $0xFFFFA000  }
0x58: {  	v3 =	vld [tilespmem:$0x80];
	_ =	sdelay $0x4  }
0x59: {  	v62 =	vshrl.u32 v3, $0x3  }
0x5a: {  	v4 =	vmul.u32 $0x30, v62  }
0x5b: {  	v3 =	vand.u32 $0x7, v3  }
0x5c: {  	v3 =	vor.u32 v3, v4  }
0x5d: {  	v4 =	vperm.xlane v3, v0;
	_ =	sdelay $0x1  }
0x5e: {  	v4 =	vadd.s32 v1, v4;
	_ =	sdelay $0x3  }
0x5f: {  	v3 =	vperm.xlane v3, v2  }
0x60: {  	[hbm4b:s4+s3] =	stream.indirect_vreg.scatter [tilespmem:s10], [sflag:$0x3], $0x80, v4, vm0, $0xb8;
	[tilespmem:$0xE100] =	vst v63  }
0x61: {  	v3 =	vadd.s32 v1, v3  }
0x62: {  	[hbm4b:s5+s3] =	stream.indirect_vreg.scatter [tilespmem:s17], [sflag:$0x3], $0x80, v4, vm0, $0xb8;
	[tilespmem:$0xE100] =	vst v63  }
0x63: {  	_ = 	snop  }
0x64: {  	[hbm4b:s6+s3] =	stream.indirect_vreg.scatter [tilespmem:s18], [sflag:$0x3], $0x80, v4, vm0, $0xb8;
	[tilespmem:$0xE100] =	vst v63  }
0x65: {  	_ = 	snop  }
0x66: {  	[hbm4b:s4+s3] =	stream.indirect_vreg.scatter [tilespmem:s19], [sflag:$0x3], $0x80, v3, vm0, $0xb8;
	[tilespmem:$0xE100] =	vst v63  }
0x67: {  	_ = 	snop  }
0x68: {  	[hbm4b:s5+s3] =	stream.indirect_vreg.scatter [tilespmem:s20], [sflag:$0x3], $0x80, v3, vm0, $0xb8;
	[tilespmem:$0xE100] =	vst v63  }
0x69: {  	_ = 	snop  }
0x6a: {  	[hbm4b:s6+s3] =	stream.indirect_vreg.scatter [tilespmem:s21], [sflag:$0x3], $0x80, v3, vm0, $0xb8;
	[tilespmem:$0xE100] =	vst v63  }
0x6b: {  	v3 =	vld [tilespmem:$0x90];
	_ =	sdelay $0x4  }
0x6c: {  	v63 =	vshrl.u32 v3, $0x3  }
0x6d: {  	v4 =	vmul.u32 $0x30, v63  }
0x6e: {  	v3 =	vand.u32 $0x7, v3  }
0x6f: {  	v3 =	vor.u32 v3, v4  }
0x70: {  	v4 =	vperm.xlane v3, v0;
	_ =	sdelay $0x1  }
0x71: {  	v4 =	vadd.s32 v1, v4;
	_ =	sdelay $0x3  }
0x72: {  	v3 =	vperm.xlane v3, v2  }
0x73: {  	[hbm4b:s4+s3] =	stream.indirect_vreg.scatter [tilespmem:s22], [sflag:$0x3], $0x80, v4, vm0, $0xb8;
	[tilespmem:$0xE100] =	vst v63  }
0x74: {  	v3 =	vadd.s32 v1, v3  }
0x75: {  	[hbm4b:s5+s3] =	stream.indirect_vreg.scatter [tilespmem:s23], [sflag:$0x3], $0x80, v4, vm0, $0xb8;
	[tilespmem:$0xE100] =	vst v63  }
0x76: {  	_ = 	snop  }
0x77: {  	[hbm4b:s6+s3] =	stream.indirect_vreg.scatter [tilespmem:s24], [sflag:$0x3], $0x80, v4, vm0, $0xb8;
	[tilespmem:$0xE100] =	vst v63  }
0x78: {  	_ = 	snop  }
0x79: {  	[hbm4b:s4+s3] =	stream.indirect_vreg.scatter [tilespmem:s25], [sflag:$0x3], $0x80, v3, vm0, $0xb8;
	[tilespmem:$0xE100] =	vst v63  }
0x7a: {  	_ = 	snop  }
0x7b: {  	[hbm4b:s5+s3] =	stream.indirect_vreg.scatter [tilespmem:s26], [sflag:$0x3], $0x80, v3, vm0, $0xb8;
	[tilespmem:$0xE100] =	vst v63  }
0x7c: {  	_ = 	snop  }
0x7d: {  	[hbm4b:s6+s3] =	stream.indirect_vreg.scatter [tilespmem:s28], [sflag:$0x3], $0x80, v3, vm0, $0xb8;
	[tilespmem:$0xE100] =	vst v63  }
0x7e: {  	_ =	swait.ge [sflag:s12], $0x2000  }
0x7f: {  	[sflag:s12] =	ssyncset.done $0x0  }
0x80: {  	[sflag:s12] =	ssyncadd.s32 $0xFFFFE000  }
0x81: {  	[hbm4b:s2+s29] =	stream.indirect.scatter [tilespmem:s11], [sflag:$0x4], $0x80, s3, s29, $0xb8;
	[tilespmem:$0xE100] =	vst v63  }
0x82: {  	_ = 	snop  }
0x83: {  	[hbm4b:s2+s29] =	stream.indirect.scatter [tilespmem:s30], [sflag:$0x4], $0x80, s8, s29, $0xb8;
	[tilespmem:$0xE100] =	vst v63  }
0x84: {  	_ =	swait.ge [sflag:s31], $0x6000  }
0x85: {  	[sflag:s31] =	ssyncset.done $0x0  }
0x86: {  	[sflag:s31] =	ssyncadd.s32 $0xFFFFA000  }
0x87: {  	_ =	swait.ge [sflag:s31], $0x6000  }
0x88: {  	[sflag:s31] =	ssyncset.done $0x0  }
0x89: {  	[sflag:s31] =	ssyncadd.s32 $0xFFFFA000  }
0x8a: {  	p0 =	sne.s32 s7, $0x1;
	_ =	swait.ge [sflag:s0], $0x1000  }
.Ltmp0:
0x8b: {  	[sflag:s0] =	ssyncset.done $0x0;
	(pc) =	sbr.rel @p0 .LBB2_1-.Ltmp0, $4  }
0x8c: {  	[sflag:s0] =	ssyncadd.s32 $0xFFFFF000  }
0x8d: {  	_ =	swait.ge [sflag:s0], $0x1000  }
0x8e: {  	[sflag:s0] =	ssyncset.done $0x0  }
0x8f: {  	s7 =	sadd.s32 $0xFFFFFFFF, s7;
	[sflag:s0] =	ssyncadd.s32 $0xFFFFF000  }
0x90: {  	_ =	sfence.sel $0x180000  }
0x91: {  	[bflag:$0x0] =	sbarrier.arrive $0xFFFF  }
0x92: {  	_ =	strace $0x90000047  }
0x93: {  	s0 =	stileid.u32;
	[bflag:$0x2] =	sbarrier.arrive $0xFFFF  }
0x94: {  	p0 =	sne.s32 s0, $0x0;
	s0 =	rddreg [dreg:$0x3]  }
0x95: {  	s0 =	sadd.s32 @!p0 $0x100000, s0  }
0x96: {  	[sflag:s0] =	ssyncadd.tile.s32 @!p0 $0x1;
	_ =	shalt  }
.Lfunc_end2:
_tile_overlayer_lowered:
.L_overlay_start_2:
0x97: {  	(tag) =	ssettag $0x2  }
0x98: {  	s0 =	rddreg [dreg:$0x0];
	s2 =	stileid.u32  }
0x99: {  	s1 =	rddreg [dreg:$0x1];
	p0 =	sne.s32 s2, $0x0  }
0x9a: {  	s3 =	rddreg [dreg:$0x2];
	[bflag:$0x3] =	sbarrier.arrive $0xFFFF;
	s2 =	simm.s32 @!p0 $0x1C05  }
0x9b: {  	[timem:s3], [sflag:s2] =	dma.local @!p0 [hbm:s0], s1  }
0x9c: {  	s0 =	simm.s32 @!p0 $0x5  }
0x9d: {  	_ =	swait.ge @!p0 [sflag:s0], s1  }
0x9e: {  	s1 =	ssub.s32 @!p0 $0x0, s1;
	[sflag:s0] =	ssyncset.done @!p0 $0x0  }
0x9f: {  	[sflag:s0] =	ssyncadd.s32 @!p0 s1  }
0xa0: {  	[bflag:$0x3] =	sbarrier.arrive $0xFFFF  }
0xa1: {  	_ =	shalt  }

// kernel: kernel.9.cloned.1.call-start
scs
__scs_entry_jumppad:
0x0: {  	(pc) =	sbr.rel $0x88, $3  }
0x1: {  	(tag) =	ssettag $0x0;
	lr =	simm.s32 $0x1  }
0x2: {  	[smem:$0x3F99] =	sst lr;
	_ =	strace $0xD0000000  }
0x3: {  	_ = 	snop  }
0x4: {  	_ = 	snop  }
0x5: {  	_ = 	snop  }
0x6: {  	_ = 	snop  }
0x7: {  	_ = 	snop  }
__scs_overlays_trampoline_lowered:
0x8: {  	[smem:$0x3FA8] =	sst s0  }
0x9: {  	[smem:$0x3FA9] =	sst s1  }
0xa: {  	[smem:$0x3FAA] =	sst s2  }
0xb: {  	[smem:$0x3FAB] =	sst s3  }
0xc: {  	[smem:$0x3FAC] =	sst s4  }
0xd: {  	[smem:$0x3FAD] =	sst s5  }
0xe: {  	[smem:$0x3FAE] =	sst s6  }
0xf: {  	[smem:$0x3FAF] =	sst s7  }
0x10: {  	[smem:$0x3FB0] =	sst s8  }
0x11: {  	[smem:$0x3FB1] =	sst s9;
	s0 =	simm.s32 @!p0 $0x0  }
0x12: {  	s1 =	sld [smem:$0x3F97];
	s0 =	simm.s32 @p0 $0x1  }
0x13: {  	[smem:$0x3FB2] =	sst s0;
	s0 =	simm.s32 @!p1 $0x0  }
0x14: {  	s2 =	sld [smem:$0x3F96];
	s0 =	simm.s32 @p1 $0x1  }
0x15: {  	[smem:$0x3FB3] =	sst s0;
	s0 =	simm.s32 @!p2 $0x0  }
0x16: {  	s3 =	sld [smem:$0x3FDB];
	s0 =	simm.s32 @p2 $0x1  }
0x17: {  	s4 =	simm.s32 $0x1BF5;
	[smem:$0x3FB5] =	sst s0  }
0x18: {  	s0 =	sld [smem:$0x3F98];
	_ =	swait.ge [sflag:s4], $0x0  }
0x19: {  	s7 =	sld [smem:$0x3F99]  }
0x1a: {  	s8 =	sadd.s32 $0xFFFFE003, lr  }
0x1b: {  	s9 =	sadd.s32 $0xFFFFFEF7, lr;
	s5 =	simm.s32 $0xFFFFFFFF;
	p2 =	slt.u32 s8, $0xFFFFF086  }
0x1c: {  	p1 =	slt.u32 s9, $0xF7A;
	s5 =	simm.s32 @!p2 $0x0  }
0x1d: {  	s5 =	simm.s32 @p1 $0x1;
	p0 =	seq.s32 s7, s2  }
0x1e: {  	s7 =	smul.u32 @!p0 $0xF7A, s2;
	p2 =	seq.s32 @!p0 s5, $0x0  }
0x1f: {  	s9 =	smul.u32 $0xF7A, s1;
	s8 =	simm.s32 @!p0 $0x1BF5;
	p2 =	por !p2, p0  }
0x20: {  	[sflag:s8] =	ssyncset.s32 @!p0 $0xFFFFF086;
	s6 =	sadd.s32 @!p0 s3, s7;
	s7 =	simm.s32 @!p0 $0x108  }
0x21: {  	s3 =	sadd.s32 s3, s9;
	s6 =	sadd.s32 @!p0 $0x88, s6;
	s7 =	simm.s32 @p2 $0x1082  }
0x22: {  	[simem:s7], [sflag:s8] =	dma.local @!p0 [hbm:s6], $0xF7A  }
0x23: {  	s9 =	sor.u32 $0xD0000000, s2;
	s6 =	simm.s32 $0x108;
	_ =	swait.ge @!p0 [sflag:s8], $0x0  }
0x24: {  	s3 =	sadd.s32 $0x88, s3;
	s6 =	simm.s32 @!p1 $0x1082;
	[sflag:s4] =	ssyncset.s32 $0xFFFFF086  }
0x25: {  	[simem:s6], [sflag:s4] =	dma.local [hbm:s3], $0xF7A  }
0x26: {  	[smem:$0x3F99] =	sst s1;
	(tag) =	ssettag s2;
	_ =	strace s9  }
0x27: {  	s1 =	sld [smem:$0x3FA9]  }
0x28: {  	s2 =	sld [smem:$0x3FAA]  }
0x29: {  	s4 =	sld [smem:$0x3FAC]  }
0x2a: {  	p0 =	seq.s32 s5, $0x0;
	s5 =	sld [smem:$0x3FAD]  }
0x2b: {  	s6 =	sld [smem:$0x3FAE]  }
0x2c: {  	s7 =	sld [smem:$0x3FAF]  }
0x2d: {  	s3 =	simm.s32 $0x108;
	s8 =	sld [smem:$0x3FB0]  }
0x2e: {  	s3 =	simm.s32 @!p0 $0x1082;
	s9 =	sld [smem:$0x3FB1]  }
0x2f: {  	lr =	sadd.s32 s0, s3;
	s0 =	sld [smem:$0x3FA8]  }
0x30: {  	s3 =	sld [smem:$0x3FAB]  }
0x31: {  	[smem:$0x3FB4] =	sst s10  }
0x32: {  	s10 =	sld [smem:$0x3FB2];
	_ =	sdelay $0x3  }
0x33: {  	p0 =	seq.s32 s10, $0x1;
	s10 =	sld [smem:$0x3FB4];
	_ =	sdelay $0x3  }
0x34: {  	[smem:$0x3FB4] =	sst s10  }
0x35: {  	s10 =	sld [smem:$0x3FB3];
	_ =	sdelay $0x3  }
0x36: {  	p1 =	seq.s32 s10, $0x1;
	s10 =	sld [smem:$0x3FB4];
	_ =	sdelay $0x3  }
0x37: {  	[smem:$0x3FB4] =	sst s10  }
0x38: {  	s10 =	sld [smem:$0x3FB5]  }
0x39: {  	_ = 	snop;
	(pc) =	sbr.ind lr, $3  }
0x3a: {  	_ = 	snop  }
0x3b: {  	_ = 	snop  }
0x3c: {  	p2 =	seq.s32 s10, $0x1;
	s10 =	sld [smem:$0x3FB4]  }
0x3d: {  	_ =	shalt  }
0x3e: {  	_ =	shalt  }
0x3f: {  	_ =	shalt  }
0x40: {  	_ =	shalt  }
0x41: {  	_ =	shalt  }
0x42: {  	_ =	shalt  }
0x43: {  	_ =	shalt  }
0x44: {  	_ =	shalt  }
0x45: {  	_ =	shalt  }
0x46: {  	_ =	shalt  }
0x47: {  	_ =	shalt  }
0x48: {  	_ =	shalt  }
0x49: {  	_ =	shalt  }
0x4a: {  	_ =	shalt  }
0x4b: {  	_ =	shalt  }
0x4c: {  	_ =	shalt  }
0x4d: {  	_ =	shalt  }
0x4e: {  	_ =	shalt  }
0x4f: {  	_ =	shalt  }
0x50: {  	_ =	shalt  }
0x51: {  	_ =	shalt  }
0x52: {  	_ =	shalt  }
0x53: {  	_ =	shalt  }
0x54: {  	_ =	shalt  }
0x55: {  	_ =	shalt  }
0x56: {  	_ =	shalt  }
0x57: {  	_ =	shalt  }
0x58: {  	_ =	shalt  }
0x59: {  	_ =	shalt  }
0x5a: {  	_ =	shalt  }
0x5b: {  	_ =	shalt  }
0x5c: {  	_ =	shalt  }
0x5d: {  	_ =	shalt  }
0x5e: {  	_ =	shalt  }
0x5f: {  	_ =	shalt  }
0x60: {  	_ =	shalt  }
0x61: {  	_ =	shalt  }
0x62: {  	_ =	shalt  }
0x63: {  	_ =	shalt  }
0x64: {  	_ =	shalt  }
0x65: {  	_ =	shalt  }
0x66: {  	_ =	shalt  }
0x67: {  	_ =	shalt  }
0x68: {  	_ =	shalt  }
0x69: {  	_ =	shalt  }
0x6a: {  	_ =	shalt  }
0x6b: {  	_ =	shalt  }
0x6c: {  	_ =	shalt  }
0x6d: {  	_ =	shalt  }
0x6e: {  	_ =	shalt  }
0x6f: {  	_ =	shalt  }
0x70: {  	_ =	shalt  }
0x71: {  	_ =	shalt  }
0x72: {  	_ =	shalt  }
0x73: {  	_ =	shalt  }
0x74: {  	_ =	shalt  }
0x75: {  	_ =	shalt  }
0x76: {  	_ =	shalt  }
0x77: {  	_ =	shalt  }
0x78: {  	_ =	shalt  }
0x79: {  	_ =	shalt  }
0x7a: {  	_ =	shalt  }
0x7b: {  	_ =	shalt  }
0x7c: {  	_ =	shalt  }
0x7d: {  	_ =	shalt  }
0x7e: {  	_ =	shalt  }
0x7f: {  	_ =	shalt  }
0x80: {  	_ =	shalt  }
0x81: {  	_ =	shalt  }
0x82: {  	_ =	shalt  }
0x83: {  	_ =	shalt  }
0x84: {  	_ =	shalt  }
0x85: {  	_ =	shalt  }
0x86: {  	_ =	shalt  }
0x87: {  	_ =	shalt  }
.Lfunc_end0:
.L_simem_size_0:
called_computation.1_lowered:
.L_overlay_start_0:
0x88: {  	s2 =	sld [smem:$0x3FD9]  }
0x89: {  	s3 =	sld [smem:$0x3FFE];
	_ =	sdelay $0x1  }
0x8a: {  	s1 =	srdreg.scid  }
0x8b: {  	s0 =	sand.u32 $0x1, s1  }
0x8c: {  	s17 =	sshll.u32 s0, $0xA;
	s2 =	sadd.s32 s3, s2  }
0x8d: {  	s2 =	sadd.s32 s2, s17  }
0x8e: {  	[smem:$0x3FC0] =	sst s2  }
0x8f: {  	_ = 	snop  }
0x90: {  	s2 =	sld [smem:$0x3FD0];
	(tm) =	ssettm $0x1  }
0x91: {  	s18 =	sld [smem:$0x3FFB];
	_ =	sdelay $0x3  }
0x92: {  	_ =	strace s18  }
0x93: {  	s3 =	sld [smem:$0x3FFC];
	_ =	sdelay $0x3  }
0x94: {  	_ =	strace s3  }
0x95: {  	s3 =	sld [smem:$0x3FFD];
	_ =	sdelay $0x3  }
0x96: {  	_ =	strace s3  }
0x97: {  	_ =	strace $0x8FFFFFFF  }
0x98: {  	s19 =	sld [smem:$0x3FDB];
	_ =	sdelay $0x1  }
0x99: {  	s4 =	simm.s32 $_scs_section_size  }
0x9a: {  	s5 =	simm.s32 $_size__tile_overlayer_lowered;
	s6 =	simm.s32 $_tile_overlayer_lowered  }
0x9b: {  	s22 =	simm.s32 $0x1BFF;
	s21 =	sshll.u32 s6, $0x1;
	s3 =	sadd.s32 s4, s19  }
0x9c: {  	s7 =	simm.s32 $0x0;
	s20 =	sshll.u32 s5, $0x1;
	s5 =	sadd.s32 s21, s3  }
0x9d: {  	[timem:s7], [sflag:s22] =	dma.local [hbm:s5], s20  }
0x9e: {  	_ =	swait.ge [sflag:s22], s20  }
0x9f: {  	s4 =	ssub.s32 $0x0, s20;
	[sflag:s22] =	ssyncset.done $0x0  }
0xa0: {  	[sflag:s22] =	ssyncadd.s32 s4;
	_ =	sdelay $0x1  }
0xa1: {  	s23 =	simm.s32 $0x1B8B  }
0xa2: {  	_ =	swait.ge [sflag:s23], $0x1  }
0xa3: {  	[sflag:s23] =	ssyncset.done $0x0  }
0xa4: {  	s25 =	simm.s32 $0x1B8E;
	s24 =	sld [smem:$0x3FFE];
	[sflag:s23] =	ssyncadd.s32 $0xFFFFFFFF  }
0xa5: {  	s26 =	simm.s32 $execute0_lowered;
	[smem:$0x3FD2] =	sst s25  }
0xa6: {  	s5 =	sshll.u32 s26, $0x1;
	_ =	strace $0x80000049;
	[dreg:$0x1] =	wrdreg $0xFFFFFFFF  }
0xa7: {  	s28 =	simm.s32 $_size_execute0_lowered;
	s3 =	sadd.s32 s3, s5;
	[dreg:$0x0] =	wrdreg $0x0  }
0xa8: {  	s5 =	sshll.u32 s28, $0x1;
	[dreg:$0x2] =	wrdreg s3  }
0xa9: {  	[dreg:$0x3] =	wrdreg s5  }
0xaa: {  	[dreg:$0x4] =	wrdreg $0xC0  }
0xab: {  	_ =	task [dreg:s7], $0x5FFFF  }
0xac: {  	[dreg:$0x1] =	wrdreg $0xFFFFFFFF  }
0xad: {  	[dreg:$0x0] =	wrdreg $0x60  }
0xae: {  	[dreg:$0x2] =	wrdreg s24  }
0xaf: {  	[dreg:$0x3] =	wrdreg s2  }
0xb0: {  	[dreg:$0x4] =	wrdreg $0x9  }
0xb1: {  	_ =	task.clear_ibuf [dreg:s7], $0x5FFFF;
	_ =	strace $0x90000049  }
0xb2: {  	s29 =	simm.s32 $0x9;
	_ =	strace $0x8000004B  }
0xb3: {  	_ =	swait.ge [sflag:s29], $0x1  }
0xb4: {  	[sflag:s29] =	ssyncadd.s32 $0xFFFFFFFF  }
0xb5: {  	_ =	strace $0x9000004B  }
0xb6: {  	_ =	sfence  }
0xb7: {  	s30 =	sld [smem:$0x0];
	_ =	sdelay $0x2  }
0xb8: {  	s31 =	sshll.u32 s1, $0xD;
	s1 =	sshrl.u32 s1, $0x2  }
0xb9: {  	s3 =	sand.u32 $0x4000, s31;
	s1 =	sadd.s32 s1, s30  }
0xba: {  	s0 =	sor.u32 s3, s0;
	s1 =	sshll.u32 s1, $0x11  }
0xbb: {  	s0 =	sor.u32 s1, s0  }
0xbc: {  	s0 =	sadd.s32 $0x8F2B, s0  }
0xbd: {  	[sflag:s0] =	ssyncadd.remote.s32 $0x1  }
0xbe: {  	_ =	sfence.sel $0xFFFF  }
0xbf: {  	[dreg:$0x0] =	wrdreg $0xFFFFFFFF;
	(pc) =	sbr.abs _section_cstart, $3  }
0xc0: {  	[dreg:$0x1] =	wrdreg $0xFFFFFFFF  }
0xc1: {  	_ =	task.clear_ibuf [dreg:s7], $0x2FFFF;
	_ =	strace $0x9FFFFFFF  }
0xc2: {  	(tm) =	ssettm $0x7FFFFFFF  }
0xc3: {  	_ =	shalt  }
tec
execute0_lowered:
.L_overlay_start_1:
0x0: {  	(tag) =	ssettag $0x1  }
0x1: {  	s0 =	rddreg [dreg:$0x0]  }
0x2: {  	s5 =	rddreg [dreg:$0x1]  }
0x3: {  	s3 =	srdreg.scid;
	s2 =	simm.s32 $0x0;
	s1 =	stileid.u32  }
0x4: {  	s24 =	simm.s32 $0x880;
	s25 =	simm.s32 $0x1080;
	s26 =	simm.s32 $0x1880  }
0x5: {  	s10 =	simm.s32 $0x2880;
	s11 =	simm.s32 $0x3080;
	s12 =	simm.s32 $0x3880  }
0x6: {  	s13 =	simm.s32 $0x4080;
	s14 =	simm.s32 $0x4880;
	s15 =	simm.s32 $0x5080  }
0x7: {  	s16 =	simm.s32 $0x5880;
	s17 =	simm.s32 $0x6080;
	s18 =	simm.s32 $0x6880  }
0x8: {  	s19 =	simm.s32 $0x7080;
	s20 =	simm.s32 $0x7880;
	s21 =	simm.s32 $0x8080  }
0x9: {  	s28 =	simm.s32 $0xB080;
	s29 =	simm.s32 $0xB880;
	s30 =	simm.s32 $0x1  }
0xa: {  	s31 =	simm.s32 $0x2;
	s4 =	sand.u32 $0x1, s3;
	[smem:$0x7FF] =	sst s2  }
0xb: {  	s6 =	sshll.u32 s1, $0x4;
	_ =	strace $0x8000004A;
	[dreg:$0x6] =	wrdreg s24  }
0xc: {  	s3 =	sadd.s32 $0x9A000, s0;
	s7 =	sshll.u32 s4, $0x3;
	[dreg:$0x7] =	wrdreg s25  }
0xd: {  	s4 =	ssub.s32 $0x2, s4;
	[dreg:$0x8] =	wrdreg s26;
	s24 =	simm.s32 $0x9880  }
0xe: {  	s25 =	simm.s32 $0xA080;
	s26 =	simm.s32 $0xA880;
	s6 =	sor.u32 s7, s6  }
0xf: {  	s9 =	sshrl.u32 s4, $0x1;
	s7 =	sadd.s32 s6, s0;
	s8 =	smul.u32 $0x1800, s6  }
0x10: {  	s6 =	smul.u32 $0x300, s6;
	s9 =	ssub.s32 s4, s9;
	s7 =	sadd.s32 $0x9E00, s7  }
0x11: {  	s4 =	sadd.s32 $0x9A100, s0;
	[dreg:$0x3] =	wrdreg s7;
	s22 =	sshrl.u32 s8, $0x3  }
0x12: {  	s6 =	sadd.s32 s5, s6;
	s8 =	simm.s32 $0x80;
	s7 =	sadd.s32 s5, s22  }
0x13: {  	v2 =	vlaneseq.u32;
	s5 =	sadd.s32 $0x9A200, s0;
	[dreg:$0x4] =	wrdreg s6;
	s6 =	smax.u32 s9, $0x1  }
0x14: {  	vm0 =	vmmov $0xffff;
	v1 =	vshrl.u32 v2, $0x3;
	s22 =	simm.s32 $0x8880;
	s0 =	simm.s32 $0x3;
	s23 =	sadd.s32 $0xC00, s7  }
0x15: {  	v0 =	vand.u32 $0x7, v2;
	v2 =	vor.u32 $0x8, v2;
	v1 =	vmul.u32 $0x8, v1;
	s7 =	simm.s32 $0x4;
	[dreg:$0x5] =	wrdreg s23;
	s23 =	simm.s32 $0x9080  }
.LBB2_1:
0x16: {  	s1 =	rddreg [dreg:$0x3]  }
0x17: {  	[tilespmem:s2], [sflag:$0x4] =	stream.linear.gather [hbm4b:s1+s2], $0x40, $0x38;
	[tilespmem:$0xC080] =	vst v63  }
0x18: {  	_ =	swait.ge [sflag:s7], $0x40  }
0x19: {  	[sflag:s7] =	ssyncset.done $0x0  }
0x1a: {  	[sflag:s7] =	ssyncadd.s32 $0xFFFFFFC0  }
0x1b: {  	v3 =	vld [tilespmem:$0x0];
	_ =	sdelay $0x4  }
0x1c: {  	v4 =	vshrl.u32 v3, $0x3  }
0x1d: {  	v4 =	vmul.u32 $0x30, v4  }
0x1e: {  	v3 =	vand.u32 $0x7, v3  }
0x1f: {  	v3 =	vor.u32 v3, v4  }
0x20: {  	v4 =	vperm.xlane v3, v0;
	_ =	sdelay $0x1  }
0x21: {  	v4 =	vadd.s32 v1, v4;
	_ =	sdelay $0x3  }
0x22: {  	v3 =	vperm.xlane v3, v2  }
0x23: {  	[tilespmem:s8], [sflag:$0x1] =	stream.indirect_vreg.gather [hbm4b:s3+s2], $0x80, v4, vm0, $0xb8;
	[tilespmem:$0xC080] =	vst v63  }
0x24: {  	s1 =	rddreg [dreg:$0x6];
	v3 =	vadd.s32 v1, v3  }
0x25: {  	[tilespmem:s1], [sflag:$0x1] =	stream.indirect_vreg.gather [hbm4b:s4+s2], $0x80, v4, vm0, $0xb8;
	[tilespmem:$0xC080] =	vst v63  }
0x26: {  	s9 =	rddreg [dreg:$0x7]  }
0x27: {  	[tilespmem:s9], [sflag:$0x1] =	stream.indirect_vreg.gather [hbm4b:s5+s2], $0x80, v4, vm0, $0xb8;
	[tilespmem:$0xC080] =	vst v63  }
0x28: {  	s1 =	rddreg [dreg:$0x8]  }
0x29: {  	[tilespmem:s1], [sflag:$0x1] =	stream.indirect_vreg.gather [hbm4b:s3+s2], $0x80, v3, vm0, $0xb8;
	[tilespmem:$0xC080] =	vst v63  }
0x2a: {  	s9 =	simm.s32 $0x2080  }
0x2b: {  	[tilespmem:s9], [sflag:$0x1] =	stream.indirect_vreg.gather [hbm4b:s4+s2], $0x80, v3, vm0, $0xb8;
	[tilespmem:$0xC080] =	vst v63  }
0x2c: {  	_ = 	snop  }
0x2d: {  	[tilespmem:s10], [sflag:$0x1] =	stream.indirect_vreg.gather [hbm4b:s5+s2], $0x80, v3, vm0, $0xb8;
	[tilespmem:$0xC080] =	vst v63  }
0x2e: {  	v3 =	vld [tilespmem:$0x10];
	_ =	sdelay $0x4  }
0x2f: {  	v61 =	vshrl.u32 v3, $0x3  }
0x30: {  	v4 =	vmul.u32 $0x30, v61  }
0x31: {  	v3 =	vand.u32 $0x7, v3  }
0x32: {  	v3 =	vor.u32 v3, v4  }
0x33: {  	v4 =	vperm.xlane v3, v0;
	_ =	sdelay $0x1  }
0x34: {  	v4 =	vadd.s32 v1, v4;
	_ =	sdelay $0x3  }
0x35: {  	v3 =	vperm.xlane v3, v2  }
0x36: {  	[tilespmem:s11], [sflag:$0x1] =	stream.indirect_vreg.gather [hbm4b:s3+s2], $0x80, v4, vm0, $0xb8;
	[tilespmem:$0xC080] =	vst v63  }
0x37: {  	v3 =	vadd.s32 v1, v3  }
0x38: {  	[tilespmem:s12], [sflag:$0x1] =	stream.indirect_vreg.gather [hbm4b:s4+s2], $0x80, v4, vm0, $0xb8;
	[tilespmem:$0xC080] =	vst v63  }
0x39: {  	_ = 	snop  }
0x3a: {  	[tilespmem:s13], [sflag:$0x1] =	stream.indirect_vreg.gather [hbm4b:s5+s2], $0x80, v4, vm0, $0xb8;
	[tilespmem:$0xC080] =	vst v63  }
0x3b: {  	_ = 	snop  }
0x3c: {  	[tilespmem:s14], [sflag:$0x1] =	stream.indirect_vreg.gather [hbm4b:s3+s2], $0x80, v3, vm0, $0xb8;
	[tilespmem:$0xC080] =	vst v63  }
0x3d: {  	_ = 	snop  }
0x3e: {  	[tilespmem:s15], [sflag:$0x1] =	stream.indirect_vreg.gather [hbm4b:s4+s2], $0x80, v3, vm0, $0xb8;
	[tilespmem:$0xC080] =	vst v63  }
0x3f: {  	_ = 	snop  }
0x40: {  	[tilespmem:s16], [sflag:$0x1] =	stream.indirect_vreg.gather [hbm4b:s5+s2], $0x80, v3, vm0, $0xb8;
	[tilespmem:$0xC080] =	vst v63  }
0x41: {  	v3 =	vld [tilespmem:$0x20];
	_ =	sdelay $0x4  }
0x42: {  	v62 =	vshrl.u32 v3, $0x3  }
0x43: {  	v4 =	vmul.u32 $0x30, v62  }
0x44: {  	v3 =	vand.u32 $0x7, v3  }
0x45: {  	v3 =	vor.u32 v3, v4  }
0x46: {  	v4 =	vperm.xlane v3, v0;
	_ =	sdelay $0x1  }
0x47: {  	v4 =	vadd.s32 v1, v4;
	_ =	sdelay $0x3  }
0x48: {  	v3 =	vperm.xlane v3, v2  }
0x49: {  	[tilespmem:s17], [sflag:$0x2] =	stream.indirect_vreg.gather [hbm4b:s3+s2], $0x80, v4, vm0, $0xb8;
	[tilespmem:$0xC080] =	vst v63  }
0x4a: {  	v3 =	vadd.s32 v1, v3  }
0x4b: {  	[tilespmem:s18], [sflag:$0x2] =	stream.indirect_vreg.gather [hbm4b:s4+s2], $0x80, v4, vm0, $0xb8;
	[tilespmem:$0xC080] =	vst v63  }
0x4c: {  	_ = 	snop  }
0x4d: {  	[tilespmem:s19], [sflag:$0x2] =	stream.indirect_vreg.gather [hbm4b:s5+s2], $0x80, v4, vm0, $0xb8;
	[tilespmem:$0xC080] =	vst v63  }
0x4e: {  	_ = 	snop  }
0x4f: {  	[tilespmem:s20], [sflag:$0x2] =	stream.indirect_vreg.gather [hbm4b:s3+s2], $0x80, v3, vm0, $0xb8;
	[tilespmem:$0xC080] =	vst v63  }
0x50: {  	_ = 	snop  }
0x51: {  	[tilespmem:s21], [sflag:$0x2] =	stream.indirect_vreg.gather [hbm4b:s4+s2], $0x80, v3, vm0, $0xb8;
	[tilespmem:$0xC080] =	vst v63  }
0x52: {  	_ = 	snop  }
0x53: {  	[tilespmem:s22], [sflag:$0x2] =	stream.indirect_vreg.gather [hbm4b:s5+s2], $0x80, v3, vm0, $0xb8;
	[tilespmem:$0xC080] =	vst v63  }
0x54: {  	v3 =	vld [tilespmem:$0x30];
	_ =	sdelay $0x4  }
0x55: {  	v63 =	vshrl.u32 v3, $0x3  }
0x56: {  	v4 =	vmul.u32 $0x30, v63  }
0x57: {  	v3 =	vand.u32 $0x7, v3  }
0x58: {  	v3 =	vor.u32 v3, v4  }
0x59: {  	v4 =	vperm.xlane v3, v0;
	_ =	sdelay $0x1  }
0x5a: {  	v4 =	vadd.s32 v1, v4;
	_ =	sdelay $0x3  }
0x5b: {  	v3 =	vperm.xlane v3, v2  }
0x5c: {  	[tilespmem:s23], [sflag:$0x2] =	stream.indirect_vreg.gather [hbm4b:s3+s2], $0x80, v4, vm0, $0xb8;
	[tilespmem:$0xC080] =	vst v63  }
0x5d: {  	v3 =	vadd.s32 v1, v3  }
0x5e: {  	[tilespmem:s24], [sflag:$0x2] =	stream.indirect_vreg.gather [hbm4b:s4+s2], $0x80, v4, vm0, $0xb8;
	[tilespmem:$0xC080] =	vst v63  }
0x5f: {  	_ = 	snop  }
0x60: {  	[tilespmem:s25], [sflag:$0x2] =	stream.indirect_vreg.gather [hbm4b:s5+s2], $0x80, v4, vm0, $0xb8;
	[tilespmem:$0xC080] =	vst v63  }
0x61: {  	_ = 	snop  }
0x62: {  	[tilespmem:s26], [sflag:$0x2] =	stream.indirect_vreg.gather [hbm4b:s3+s2], $0x80, v3, vm0, $0xb8;
	[tilespmem:$0xC080] =	vst v63  }
0x63: {  	_ = 	snop  }
0x64: {  	[tilespmem:s28], [sflag:$0x2] =	stream.indirect_vreg.gather [hbm4b:s4+s2], $0x80, v3, vm0, $0xb8;
	[tilespmem:$0xC080] =	vst v63  }
0x65: {  	_ = 	snop  }
0x66: {  	[tilespmem:s29], [sflag:$0x2] =	stream.indirect_vreg.gather [hbm4b:s5+s2], $0x80, v3, vm0, $0xb8;
	[tilespmem:$0xC080] =	vst v63  }
0x67: {  	_ =	swait.ge [sflag:s30], $0x6000  }
0x68: {  	[sflag:s30] =	ssyncset.done $0x0  }
0x69: {  	s9 =	rddreg [dreg:$0x4];
	[sflag:s30] =	ssyncadd.s32 $0xFFFFA000  }
0x6a: {  	[hbm4b:s9+s2] =	stream.linear.scatter [tilespmem:s8], [sflag:$0x3], $0x6000, $0x38;
	[tilespmem:$0xC080] =	vst v63  }
0x6b: {  	_ =	swait.ge [sflag:s31], $0x6000  }
0x6c: {  	[sflag:s31] =	ssyncset.done $0x0  }
0x6d: {  	s9 =	rddreg [dreg:$0x5];
	[sflag:s31] =	ssyncadd.s32 $0xFFFFA000  }
0x6e: {  	[hbm4b:s9+s2] =	stream.linear.scatter [tilespmem:s17], [sflag:$0x3], $0x6000, $0x38;
	[tilespmem:$0xC080] =	vst v63  }
0x6f: {  	p0 =	sne.s32 s6, $0x1;
	_ =	swait.ge [sflag:s0], $0x6000  }
.Ltmp0:
0x70: {  	[sflag:s0] =	ssyncset.done $0x0;
	(pc) =	sbr.rel @p0 .LBB2_1-.Ltmp0, $4  }
0x71: {  	[sflag:s0] =	ssyncadd.s32 $0xFFFFA000  }
0x72: {  	_ =	swait.ge [sflag:s0], $0x6000  }
0x73: {  	[sflag:s0] =	ssyncset.done $0x0  }
0x74: {  	s6 =	sadd.s32 $0xFFFFFFFF, s6;
	[sflag:s0] =	ssyncadd.s32 $0xFFFFA000  }
0x75: {  	_ =	sfence.sel $0x180000  }
0x76: {  	[bflag:$0x0] =	sbarrier.arrive $0xFFFF  }
0x77: {  	_ =	strace $0x9000004A  }
0x78: {  	s0 =	stileid.u32;
	[bflag:$0x2] =	sbarrier.arrive $0xFFFF  }
0x79: {  	p0 =	sne.s32 s0, $0x0;
	s0 =	rddreg [dreg:$0x2]  }
0x7a: {  	s0 =	sadd.s32 @!p0 $0x100000, s0  }
0x7b: {  	[sflag:s0] =	ssyncadd.tile.s32 @!p0 $0x1;
	_ =	shalt  }
.Lfunc_end2:
_tile_overlayer_lowered:
.L_overlay_start_2:
0x7c: {  	(tag) =	ssettag $0x2  }
0x7d: {  	s0 =	rddreg [dreg:$0x0];
	s2 =	stileid.u32  }
0x7e: {  	s1 =	rddreg [dreg:$0x1];
	p0 =	sne.s32 s2, $0x0  }
0x7f: {  	s3 =	rddreg [dreg:$0x2];
	[bflag:$0x3] =	sbarrier.arrive $0xFFFF;
	s2 =	simm.s32 @!p0 $0x1C04  }
0x80: {  	[timem:s3], [sflag:s2] =	dma.local @!p0 [hbm:s0], s1  }
0x81: {  	s0 =	simm.s32 @!p0 $0x4  }
0x82: {  	_ =	swait.ge @!p0 [sflag:s0], s1  }
0x83: {  	s1 =	ssub.s32 @!p0 $0x0, s1;
	[sflag:s0] =	ssyncset.done @!p0 $0x0  }
0x84: {  	[sflag:s0] =	ssyncadd.s32 @!p0 s1  }
0x85: {  	[bflag:$0x3] =	sbarrier.arrive $0xFFFF  }
0x86: {  	_ =	shalt  }

</sc_bundles>
